<compile_context>
chip_gen: v7x
topology: tpu7x:2x2x1
jax: 0.10.2.dev20260603
libtpu: 0.0.44.dev20260713+nightly
codegen_flags: <defaults>
</compile_context>

<pallas_src>
import functools

import jax
import jax.numpy as jnp
from jax import lax
from jax.experimental import pallas as pl
from jax.experimental.pallas import tpu as pltpu
from jax.experimental.pallas import tpu_sc as plsc

_MARK_AX = 0
_OP_SHL = 1
_OP_SHR = 2
_ALU_LO = 3
_ALU_HI = 19
_AX_CARRY_LO = 35
_OUTPUT_LO = 76
_OUTPUT_HI = 92
_D = 108

_B = 16
_SEQ = 8192
_ROWS = _D * _B
_NUM_CORES = 2
_NUM_SUBCORES = 16
_NW = _NUM_CORES * _NUM_SUBCORES

_SPAN = 128
_NCHUNK = 2 * (_SEQ // _SPAN)
_PER_W = _NCHUNK // _NW


def _make_kernel():
    mesh = plsc.VectorSubcoreMesh(
        core_axis_name="c",
        subcore_axis_name="s",
        num_cores=_NUM_CORES,
        num_subcores=_NUM_SUBCORES,
    )

    @functools.partial(
        pl.kernel,
        out_type=jax.ShapeDtypeStruct((_ROWS, _SEQ), jnp.float32),
        mesh=mesh,
        scratch_types=[
            pltpu.VMEM((_D, 8, _SPAN), jnp.float32),
            pltpu.VMEM((8, _SPAN), jnp.int32),
            pltpu.VMEM((8, _SPAN), jnp.int32),
            pltpu.SemaphoreType.DMA,
        ],
        compiler_params=pltpu.CompilerParams(
            needs_layout_passes=False, use_tc_tiling_on_sc=True
        ),
    )
    def k(x_hbm, out_hbm, big, rlo_buf, rhi_buf, sem):
        wid = lax.axis_index("s") * _NUM_CORES + lax.axis_index("c")

        def run_chunk(c):
            g = c % 2
            s0 = (c // 2) * _SPAN

            def in_issue(d, carry):
                pltpu.async_copy(
                    x_hbm.at[pl.ds(d * _B + g * 8, 8), pl.ds(s0, _SPAN)],
                    big.at[d],
                    sem,
                )
                return carry

            def in_drain(d, carry):
                pltpu.make_async_copy(
                    x_hbm.at[pl.ds(d * _B + g * 8, 8), pl.ds(s0, _SPAN)],
                    big.at[d],
                    sem,
                ).wait()
                return carry

            lax.fori_loop(0, _D, in_issue, 0, unroll=False)
            lax.fori_loop(0, _D, in_drain, 0, unroll=False)

            def slot_body(slot, carry):
                r = slot // 8
                c16 = (slot % 8) * 16
                sixteen = jnp.full((16,), 16, jnp.int32)
                a_lo = sixteen
                a_hi = sixteen
                sh = sixteen
                for kk in range(16):
                    v = big[_ALU_LO + kk, r, pl.ds(c16, 16)]
                    a_lo = jnp.minimum(
                        a_lo, jnp.where(v > 0.5, jnp.int32(kk), sixteen)
                    )
                for kk in range(16):
                    v = big[_ALU_HI + kk, r, pl.ds(c16, 16)]
                    a_hi = jnp.minimum(
                        a_hi, jnp.where(v > 0.5, jnp.int32(kk), sixteen)
                    )
                for kk in range(16):
                    v = big[_AX_CARRY_LO + kk, r, pl.ds(c16, 16)]
                    sh = jnp.minimum(
                        sh, jnp.where(v > 0.5, jnp.int32(kk), sixteen)
                    )
                zero = jnp.zeros((16,), jnp.int32)
                a_lo = jnp.where(a_lo >= 16, zero, a_lo)
                a_hi = jnp.where(a_hi >= 16, zero, a_hi)
                sh = jnp.where(sh >= 16, zero, sh)
                val = a_hi * 16 + a_lo
                shl = lax.shift_left(val, sh) & 255
                shr = lax.shift_right_logical(val, sh)
                mark = big[_MARK_AX, r, pl.ds(c16, 16)] >= 0.5
                f1 = big[_OP_SHL, r, pl.ds(c16, 16)] > 0.5
                f2 = big[_OP_SHR, r, pl.ds(c16, 16)] > 0.5
                active = jnp.logical_and(mark, jnp.logical_or(f1, f2))
                res = jnp.where(f1, shl, shr)
                r_lo = res & 15
                r_hi = lax.shift_right_logical(res, 4)
                rlo_buf[r, pl.ds(c16, 16)] = jnp.where(active, r_lo, sixteen)
                rhi_buf[r, pl.ds(c16, 16)] = jnp.where(active, r_hi, sixteen)
                return carry

            lax.fori_loop(0, 64, slot_body, 0, unroll=False)

            def upd_body(slot, carry):
                r = slot // 8
                c16 = (slot % 8) * 16
                r_lo = rlo_buf[r, pl.ds(c16, 16)]
                r_hi = rhi_buf[r, pl.ds(c16, 16)]
                two = jnp.full((16,), 2.0, jnp.float32)
                zf = jnp.zeros((16,), jnp.float32)
                for j in range(16):
                    d = _OUTPUT_LO + j
                    v = big[d, r, pl.ds(c16, 16)]
                    big[d, r, pl.ds(c16, 16)] = v + jnp.where(
                        r_lo == j, two, zf
                    )
                for j in range(16):
                    d = _OUTPUT_HI + j
                    v = big[d, r, pl.ds(c16, 16)]
                    big[d, r, pl.ds(c16, 16)] = v + jnp.where(
                        r_hi == j, two, zf
                    )
                return carry

            lax.fori_loop(0, 64, upd_body, 0, unroll=False)

            def out_issue(d, carry):
                pltpu.async_copy(
                    big.at[d],
                    out_hbm.at[pl.ds(d * _B + g * 8, 8), pl.ds(s0, _SPAN)],
                    sem,
                )
                return carry

            def out_drain(d, carry):
                pltpu.make_async_copy(
                    big.at[d],
                    out_hbm.at[pl.ds(d * _B + g * 8, 8), pl.ds(s0, _SPAN)],
                    sem,
                ).wait()
                return carry

            lax.fori_loop(0, _D, out_issue, 0, unroll=False)
            lax.fori_loop(0, _D, out_drain, 0, unroll=False)

        def chunk_body(i, carry):
            run_chunk(wid * _PER_W + i)
            return carry

        lax.fori_loop(0, _PER_W, chunk_body, 0, unroll=False)

    return k


def kernel(x_bd):
    b, seq, d = x_bd.shape
    assert (b, seq, d) == (_B, _SEQ, _D)
    x2 = x_bd.transpose(2, 0, 1).reshape(_ROWS, _SEQ)
    out = _make_kernel()(x2)
    return out.reshape(_D, _B, _SEQ).transpose(1, 2, 0)

# --- scband reference (transcript-rebuilt; emitter-appended) ---
"""Pipeline reference for scband-efficient8-bit-alu-shift-7945689497931 (READ-ONLY COPY).

The authoritative reference and input builder live on the scoring server;
editing this copy changes nothing except your own understanding.
"""

import jax, jax.numpy as jnp
import numpy as np

# BD feature layout (matches init_kwargs BD dict)
MARK_AX = 0
OP_SHL = 1
OP_SHR = 2
ALU_LO = 3
ALU_HI = 19
AX_CARRY_LO = 35
OPCODE_BASE = 51
OUTPUT_LO = 76
OUTPUT_HI = 92
D = 108
B = 16
SEQ = 8192


def setup_inputs(seed: int = 0) -> dict:
    key = jax.random.key(seed)
    x_bd = jax.random.uniform(key, (B, SEQ, D), dtype=jnp.float32)
    return {"x_bd": x_bd}


def _first_hot(block):
    # torch loop: first k in 0..15 with value > 0.5, else 0
    hit = block > 0.5
    idx = jnp.argmax(hit, axis=-1)
    return jnp.where(jnp.any(hit, axis=-1), idx, 0).astype(jnp.int32)


def reference(x_bd):
    Bv, Sv, Dv = x_bd.shape
    flat = x_bd.reshape(Bv * Sv, Dv)
    # bd_to_ge: decode one-hot nibbles and shift amount
    a_lo = _first_hot(flat[:, ALU_LO:ALU_LO + 16])
    a_hi = _first_hot(flat[:, ALU_HI:ALU_HI + 16])
    s = _first_hot(flat[:, AX_CARRY_LO:AX_CARRY_LO + 16])
    val = a_hi * 16 + a_lo  # 8-bit value from two nibbles
    # shl/shr layer stacks compute exact 8-bit shift (frozen, no_grad in torch)
    shl_val = jnp.bitwise_and(jnp.left_shift(val, s), 255)
    shr_val = jnp.right_shift(val, s)
    op_shl = flat[:, OP_SHL] > 0.5
    op_shr = jnp.logical_and(jnp.logical_not(op_shl), flat[:, OP_SHR] > 0.5)
    active = jnp.logical_and(flat[:, MARK_AX] >= 0.5, jnp.logical_or(op_shl, op_shr))
    res = jnp.where(op_shl, shl_val, shr_val)
    res = jnp.clip(res, 0, 255)
    # ge_to_bd: round/clamp result nibbles and scatter-add +2.0 into output slots
    r_lo = jnp.clip(jnp.mod(res, 16), 0, 15)
    r_hi = jnp.clip(res // 16, 0, 15)
    rows = jnp.arange(Bv * Sv)
    add = jnp.where(active, 2.0, 0.0).astype(flat.dtype)
    out = flat.at[rows, OUTPUT_LO + r_lo].add(add)
    out = out.at[rows, OUTPUT_HI + r_hi].add(add)
    return out.reshape(Bv, Sv, Dv)

if __name__ == "__main__":
    import jax
    _d = setup_inputs()
    print(jax.jit(kernel)(*tuple(_d.values())))

</pallas_src>

<mosaic_0001>
#map = affine_map<(d0, d1) -> (0, 0)>
module attributes {stable_mosaic.version = 14 : i64} {
  func.func @k(%arg0: i32, %arg1: i32, %arg2: memref<1728x8192xf32, #tpu.memory_space<hbm>>, %arg3: memref<1728x8192xf32, #tpu.memory_space<hbm>>, %arg4: memref<108x8x128xf32, #tpu.memory_space<vmem>>, %arg5: memref<8x128xi32, #tpu.memory_space<vmem>>, %arg6: memref<8x128xi32, #tpu.memory_space<vmem>>, %arg7: memref<!tpu.dma_semaphore, #tpu.memory_space<semaphore_mem>>) attributes {dimension_semantics = [#tpu.dimension_semantics<core_parallel>, #tpu.dimension_semantics<subcore_parallel>], iteration_bounds = array<i64: 2, 16>, scalar_prefetch = 0 : i64, scratch_operands = 4 : i64, tpu.core_type = #tpu.core_type<sc_vector_subcore>, window_params = [{transform_indices = #map}, {transform_indices = #map}]} {
    %mul3A = arith.constant 2 : i32
    %mul3A_0 = arith.muli %arg1, %mul3A : i32
    %add3A = arith.addi %mul3A_0, %arg0 : i32
    %scan3A = arith.constant 0 : i32
    %scan3A_1 = arith.constant 0 : i32
    %scan3A_2 = arith.constant 4 : i32
    %scan3A_3 = arith.addi %scan3A_1, %scan3A_2 : i32
    %scan3A_4 = arith.constant 1 : i32
    scf.for %scan3A_6 = %scan3A_1 to %scan3A_3 step %scan3A_4  : i32 {
      %mul3A_7 = arith.constant 4 : i32
      %mul3A_8 = arith.muli %add3A, %mul3A_7 : i32
      %add3A_9 = arith.addi %mul3A_8, %scan3A_6 : i32
      %jit3A = arith.constant 2 : i32
      %eq3A = arith.constant 0 : i32
      %eq3A_10 = arith.cmpi eq, %jit3A, %eq3A : i32
      %jit3A_11 = arith.constant 1 : i32
      %select_n3A = arith.select %eq3A_10, %jit3A_11, %jit3A : i32
      %rem3A = arith.remsi %add3A_9, %select_n3A : i32
      %ne3A = arith.constant 0 : i32
      %ne3A_12 = arith.cmpi ne, %rem3A, %ne3A : i32
      %lt3A = arith.constant 0 : i32
      %lt3A_13 = arith.cmpi slt, %rem3A, %lt3A : i32
      %lt3A_14 = arith.constant 0 : i32
      %lt3A_15 = arith.cmpi slt, %select_n3A, %lt3A_14 : i32
      %ne3A_16 = arith.xori %lt3A_13, %lt3A_15 : i1
      %and3A = arith.andi %ne3A_16, %ne3A_12 : i1
      %add3A_17 = arith.addi %rem3A, %select_n3A : i32
      %select_n3A_18 = arith.select %and3A, %add3A_17, %rem3A : i32
      %jit3A_19 = arith.constant 2 : i32
      %div3A = arith.divsi %add3A_9, %jit3A_19 : i32
      %sign3A = arith.constant 0 : i32
      %sign3A_20 = arith.cmpi sgt, %add3A_9, %sign3A : i32
      %sign3A_21 = arith.extui %sign3A_20 : i1 to i32
      %sign3A_22 = arith.constant 0 : i32
      %sign3A_23 = arith.cmpi slt, %add3A_9, %sign3A_22 : i32
      %sign3A_24 = arith.extui %sign3A_23 : i1 to i32
      %sign3A_25 = arith.subi %sign3A_21, %sign3A_24 : i32
      %sign3A_26 = arith.constant 0 : i32
      %sign3A_27 = arith.cmpi sgt, %jit3A_19, %sign3A_26 : i32
      %sign3A_28 = arith.extui %sign3A_27 : i1 to i32
      %sign3A_29 = arith.constant 0 : i32
      %sign3A_30 = arith.cmpi slt, %jit3A_19, %sign3A_29 : i32
      %sign3A_31 = arith.extui %sign3A_30 : i1 to i32
      %sign3A_32 = arith.subi %sign3A_28, %sign3A_31 : i32
      %ne3A_33 = arith.cmpi ne, %sign3A_25, %sign3A_32 : i32
      %rem3A_34 = arith.remsi %add3A_9, %jit3A_19 : i32
      %ne3A_35 = arith.constant 0 : i32
      %ne3A_36 = arith.cmpi ne, %rem3A_34, %ne3A_35 : i32
      %and3A_37 = arith.andi %ne3A_33, %ne3A_36 : i1
      %sub3A = arith.constant 1 : i32
      %sub3A_38 = arith.subi %div3A, %sub3A : i32
      %select_n3A_39 = arith.select %and3A_37, %sub3A_38, %div3A : i32
      %mul3A_40 = arith.constant 128 : i32
      %mul3A_41 = arith.muli %select_n3A_39, %mul3A_40 : i32
      %scan3A_42 = arith.constant 0 : i32
      %scan3A_43 = arith.constant 0 : i32
      %scan3A_44 = arith.constant 108 : i32
      %scan3A_45 = arith.addi %scan3A_43, %scan3A_44 : i32
      %scan3A_46 = arith.constant 1 : i32
      scf.for %scan3A_78 = %scan3A_43 to %scan3A_45 step %scan3A_46  : i32 {
        %mul3A_79 = arith.constant 16 : i32
        %mul3A_80 = arith.muli %scan3A_78, %mul3A_79 : i32
        %mul3A_81 = arith.constant 8 : i32
        %mul3A_82 = arith.muli %select_n3A_18, %mul3A_81 : i32
        %add3A_83 = arith.addi %mul3A_80, %mul3A_82 : i32
        %dma_start3A = arith.constant 0 : i32
        %dma_start3A_84 = arith.constant 0 : i32
        %dma_start3A_85 = tpu.memref_slice %arg4[%scan3A_78, %dma_start3A, %dma_start3A_84] : memref<108x8x128xf32, #tpu.memory_space<vmem>> -> memref<1x8x128xf32, #tpu.memory_space<vmem>>
        %dma_start3A_86 = tpu.memref_squeeze %dma_start3A_85 : memref<1x8x128xf32, #tpu.memory_space<vmem>> -> memref<8x128xf32, #tpu.memory_space<vmem>>
        %dma_start3A_87 = tpu.memref_slice %arg2[%add3A_83, %mul3A_41] : memref<1728x8192xf32, #tpu.memory_space<hbm>> -> memref<8x128xf32, #tpu.memory_space<hbm>>
        %dma_start3A_88 = arith.constant 0 : i32
        %dma_start3A_89 = arith.constant 0 : i32
        %dma_start3A_90 = tpu.memref_slice %arg4[%scan3A_78, %dma_start3A_88, %dma_start3A_89] : memref<108x8x128xf32, #tpu.memory_space<vmem>> -> memref<1x8x128xf32, #tpu.memory_space<vmem>>
        %dma_start3A_91 = tpu.memref_squeeze %dma_start3A_90 : memref<1x8x128xf32, #tpu.memory_space<vmem>> -> memref<8x128xf32, #tpu.memory_space<vmem>>
        %dma_start3A_92 = tpu.memref_slice %arg2[%add3A_83, %mul3A_41] : memref<1728x8192xf32, #tpu.memory_space<hbm>> -> memref<8x128xf32, #tpu.memory_space<hbm>>
        tpu.enqueue_dma source(%dma_start3A_92 : memref<8x128xf32, #tpu.memory_space<hbm>>) target(%dma_start3A_91 : memref<8x128xf32, #tpu.memory_space<vmem>>) target_semaphore(%arg7 : memref<!tpu.dma_semaphore, #tpu.memory_space<semaphore_mem>>)
      }
      %scan3A_47 = arith.constant 108 : i32
      %scan3A_48 = arith.constant 0 : i32
      %scan3A_49 = arith.constant 0 : i32
      %scan3A_50 = arith.constant 108 : i32
      %scan3A_51 = arith.addi %scan3A_49, %scan3A_50 : i32
      %scan3A_52 = arith.constant 1 : i32
      scf.for %scan3A_78 = %scan3A_49 to %scan3A_51 step %scan3A_52  : i32 {
        %mul3A_79 = arith.constant 16 : i32
        %mul3A_80 = arith.muli %scan3A_78, %mul3A_79 : i32
        %mul3A_81 = arith.constant 8 : i32
        %mul3A_82 = arith.muli %select_n3A_18, %mul3A_81 : i32
        %add3A_83 = arith.addi %mul3A_80, %mul3A_82 : i32
        %dma_wait3A = arith.constant 0 : i32
        %dma_wait3A_84 = arith.constant 0 : i32
        %dma_wait3A_85 = tpu.memref_slice %arg4[%scan3A_78, %dma_wait3A, %dma_wait3A_84] : memref<108x8x128xf32, #tpu.memory_space<vmem>> -> memref<1x8x128xf32, #tpu.memory_space<vmem>>
        %dma_wait3A_86 = tpu.memref_squeeze %dma_wait3A_85 : memref<1x8x128xf32, #tpu.memory_space<vmem>> -> memref<8x128xf32, #tpu.memory_space<vmem>>
        %dma_wait3A_87 = tpu.memref_slice %arg2[%add3A_83, %mul3A_41] : memref<1728x8192xf32, #tpu.memory_space<hbm>> -> memref<8x128xf32, #tpu.memory_space<hbm>>
        %dma_wait3A_88 = arith.constant 0 : i32
        %dma_wait3A_89 = arith.constant 0 : i32
        %dma_wait3A_90 = tpu.memref_slice %arg4[%scan3A_78, %dma_wait3A_88, %dma_wait3A_89] : memref<108x8x128xf32, #tpu.memory_space<vmem>> -> memref<1x8x128xf32, #tpu.memory_space<vmem>>
        %dma_wait3A_91 = tpu.memref_squeeze %dma_wait3A_90 : memref<1x8x128xf32, #tpu.memory_space<vmem>> -> memref<8x128xf32, #tpu.memory_space<vmem>>
        %dma_wait3A_92 = tpu.memref_slice %arg2[%add3A_83, %mul3A_41] : memref<1728x8192xf32, #tpu.memory_space<hbm>> -> memref<8x128xf32, #tpu.memory_space<hbm>>
        tpu.wait_dma2 semaphore(%arg7 : memref<!tpu.dma_semaphore, #tpu.memory_space<semaphore_mem>>) src(%dma_wait3A_92 : memref<8x128xf32, #tpu.memory_space<hbm>>) dst(%dma_wait3A_91 : memref<8x128xf32, #tpu.memory_space<vmem>>)
      }
      %scan3A_53 = arith.constant 108 : i32
      %scan3A_54 = arith.constant 0 : i32
      %scan3A_55 = arith.constant 0 : i32
      %scan3A_56 = arith.constant 64 : i32
      %scan3A_57 = arith.addi %scan3A_55, %scan3A_56 : i32
      %scan3A_58 = arith.constant 1 : i32
      scf.for %scan3A_78 = %scan3A_55 to %scan3A_57 step %scan3A_58  : i32 {
        %jit3A_79 = arith.constant 8 : i32
        %div3A_80 = arith.divsi %scan3A_78, %jit3A_79 : i32
        %sign3A_81 = arith.constant 0 : i32
        %sign3A_82 = arith.cmpi sgt, %scan3A_78, %sign3A_81 : i32
        %sign3A_83 = arith.extui %sign3A_82 : i1 to i32
        %sign3A_84 = arith.constant 0 : i32
        %sign3A_85 = arith.cmpi slt, %scan3A_78, %sign3A_84 : i32
        %sign3A_86 = arith.extui %sign3A_85 : i1 to i32
        %sign3A_87 = arith.subi %sign3A_83, %sign3A_86 : i32
        %sign3A_88 = arith.constant 0 : i32
        %sign3A_89 = arith.cmpi sgt, %jit3A_79, %sign3A_88 : i32
        %sign3A_90 = arith.extui %sign3A_89 : i1 to i32
        %sign3A_91 = arith.constant 0 : i32
        %sign3A_92 = arith.cmpi slt, %jit3A_79, %sign3A_91 : i32
        %sign3A_93 = arith.extui %sign3A_92 : i1 to i32
        %sign3A_94 = arith.subi %sign3A_90, %sign3A_93 : i32
        %ne3A_95 = arith.cmpi ne, %sign3A_87, %sign3A_94 : i32
        %rem3A_96 = arith.remsi %scan3A_78, %jit3A_79 : i32
        %ne3A_97 = arith.constant 0 : i32
        %ne3A_98 = arith.cmpi ne, %rem3A_96, %ne3A_97 : i32
        %and3A_99 = arith.andi %ne3A_95, %ne3A_98 : i1
        %sub3A_100 = arith.constant 1 : i32
        %sub3A_101 = arith.subi %div3A_80, %sub3A_100 : i32
        %select_n3A_102 = arith.select %and3A_99, %sub3A_101, %div3A_80 : i32
        %jit3A_103 = arith.constant 8 : i32
        %eq3A_104 = arith.constant 0 : i32
        %eq3A_105 = arith.cmpi eq, %jit3A_103, %eq3A_104 : i32
        %jit3A_106 = arith.constant 1 : i32
        %select_n3A_107 = arith.select %eq3A_105, %jit3A_106, %jit3A_103 : i32
        %rem3A_108 = arith.remsi %scan3A_78, %select_n3A_107 : i32
        %ne3A_109 = arith.constant 0 : i32
        %ne3A_110 = arith.cmpi ne, %rem3A_108, %ne3A_109 : i32
        %lt3A_111 = arith.constant 0 : i32
        %lt3A_112 = arith.cmpi slt, %rem3A_108, %lt3A_111 : i32
        %lt3A_113 = arith.constant 0 : i32
        %lt3A_114 = arith.cmpi slt, %select_n3A_107, %lt3A_113 : i32
        %ne3A_115 = arith.xori %lt3A_112, %lt3A_114 : i1
        %and3A_116 = arith.andi %ne3A_115, %ne3A_110 : i1
        %add3A_117 = arith.addi %rem3A_108, %select_n3A_107 : i32
        %select_n3A_118 = arith.select %and3A_116, %add3A_117, %rem3A_108 : i32
        %mul3A_119 = arith.constant 16 : i32
        %mul3A_120 = arith.muli %select_n3A_118, %mul3A_119 : i32
        %broadcast_in_dim3A = arith.constant 16 : i32
        %broadcast_in_dim3A_121 = vector.broadcast %broadcast_in_dim3A : i32 to vector<16xi32>
        %get3A = arith.constant 3 : i32
        %get3A_122 = arith.index_cast %get3A : i32 to index
        %get3A_123 = arith.index_cast %select_n3A_102 : i32 to index
        %get3A_124 = arith.index_cast %mul3A_120 : i32 to index
        %get3A_125 = tpu.vector_load %arg4[%get3A_122, %get3A_123, %get3A_124] {strides = array<i32>} : memref<108x8x128xf32, #tpu.memory_space<vmem>>, vector<16xf32>,
        %gt3A = arith.constant 5.000000e-01 : f32
        %gt3A_126 = vector.broadcast %gt3A : f32 to vector<16xf32>
        %gt3A_127 = arith.cmpf ogt, %get3A_125, %gt3A_126 : vector<16xf32>
        %jit3A_128 = arith.constant 0 : i32
        %broadcast_in_dim3A_129 = vector.broadcast %jit3A_128 : i32 to vector<16xi32>
        %select_n3A_130 = arith.select %gt3A_127, %broadcast_in_dim3A_129, %broadcast_in_dim3A_121 : vector<16xi1>, vector<16xi32>
        %min3A = arith.minsi %broadcast_in_dim3A_121, %select_n3A_130 : vector<16xi32>
        %get3A_131 = arith.constant 4 : i32
        %get3A_132 = arith.index_cast %get3A_131 : i32 to index
        %get3A_133 = arith.index_cast %select_n3A_102 : i32 to index
        %get3A_134 = arith.index_cast %mul3A_120 : i32 to index
        %get3A_135 = tpu.vector_load %arg4[%get3A_132, %get3A_133, %get3A_134] {strides = array<i32>} : memref<108x8x128xf32, #tpu.memory_space<vmem>>, vector<16xf32>,
        %gt3A_136 = arith.constant 5.000000e-01 : f32
        %gt3A_137 = vector.broadcast %gt3A_136 : f32 to vector<16xf32>
        %gt3A_138 = arith.cmpf ogt, %get3A_135, %gt3A_137 : vector<16xf32>
        %jit3A_139 = arith.constant 1 : i32
        %broadcast_in_dim3A_140 = vector.broadcast %jit3A_139 : i32 to vector<16xi32>
        %select_n3A_141 = arith.select %gt3A_138, %broadcast_in_dim3A_140, %broadcast_in_dim3A_121 : vector<16xi1>, vector<16xi32>
        %min3A_142 = arith.minsi %min3A, %select_n3A_141 : vector<16xi32>
        %get3A_143 = arith.constant 5 : i32
        %get3A_144 = arith.index_cast %get3A_143 : i32 to index
        %get3A_145 = arith.index_cast %select_n3A_102 : i32 to index
        %get3A_146 = arith.index_cast %mul3A_120 : i32 to index
        %get3A_147 = tpu.vector_load %arg4[%get3A_144, %get3A_145, %get3A_146] {strides = array<i32>} : memref<108x8x128xf32, #tpu.memory_space<vmem>>, vector<16xf32>,
        %gt3A_148 = arith.constant 5.000000e-01 : f32
        %gt3A_149 = vector.broadcast %gt3A_148 : f32 to vector<16xf32>
        %gt3A_150 = arith.cmpf ogt, %get3A_147, %gt3A_149 : vector<16xf32>
        %jit3A_151 = arith.constant 2 : i32
        %broadcast_in_dim3A_152 = vector.broadcast %jit3A_151 : i32 to vector<16xi32>
        %select_n3A_153 = arith.select %gt3A_150, %broadcast_in_dim3A_152, %broadcast_in_dim3A_121 : vector<16xi1>, vector<16xi32>
        %min3A_154 = arith.minsi %min3A_142, %select_n3A_153 : vector<16xi32>
        %get3A_155 = arith.constant 6 : i32
        %get3A_156 = arith.index_cast %get3A_155 : i32 to index
        %get3A_157 = arith.index_cast %select_n3A_102 : i32 to index
        %get3A_158 = arith.index_cast %mul3A_120 : i32 to index
        %get3A_159 = tpu.vector_load %arg4[%get3A_156, %get3A_157, %get3A_158] {strides = array<i32>} : memref<108x8x128xf32, #tpu.memory_space<vmem>>, vector<16xf32>,
        %gt3A_160 = arith.constant 5.000000e-01 : f32
        %gt3A_161 = vector.broadcast %gt3A_160 : f32 to vector<16xf32>
        %gt3A_162 = arith.cmpf ogt, %get3A_159, %gt3A_161 : vector<16xf32>
        %jit3A_163 = arith.constant 3 : i32
        %broadcast_in_dim3A_164 = vector.broadcast %jit3A_163 : i32 to vector<16xi32>
        %select_n3A_165 = arith.select %gt3A_162, %broadcast_in_dim3A_164, %broadcast_in_dim3A_121 : vector<16xi1>, vector<16xi32>
        %min3A_166 = arith.minsi %min3A_154, %select_n3A_165 : vector<16xi32>
        %get3A_167 = arith.constant 7 : i32
        %get3A_168 = arith.index_cast %get3A_167 : i32 to index
        %get3A_169 = arith.index_cast %select_n3A_102 : i32 to index
        %get3A_170 = arith.index_cast %mul3A_120 : i32 to index
        %get3A_171 = tpu.vector_load %arg4[%get3A_168, %get3A_169, %get3A_170] {strides = array<i32>} : memref<108x8x128xf32, #tpu.memory_space<vmem>>, vector<16xf32>,
        %gt3A_172 = arith.constant 5.000000e-01 : f32
        %gt3A_173 = vector.broadcast %gt3A_172 : f32 to vector<16xf32>
        %gt3A_174 = arith.cmpf ogt, %get3A_171, %gt3A_173 : vector<16xf32>
        %jit3A_175 = arith.constant 4 : i32
        %broadcast_in_dim3A_176 = vector.broadcast %jit3A_175 : i32 to vector<16xi32>
        %select_n3A_177 = arith.select %gt3A_174, %broadcast_in_dim3A_176, %broadcast_in_dim3A_121 : vector<16xi1>, vector<16xi32>
        %min3A_178 = arith.minsi %min3A_166, %select_n3A_177 : vector<16xi32>
        %get3A_179 = arith.constant 8 : i32
        %get3A_180 = arith.index_cast %get3A_179 : i32 to index
        %get3A_181 = arith.index_cast %select_n3A_102 : i32 to index
        %get3A_182 = arith.index_cast %mul3A_120 : i32 to index
        %get3A_183 = tpu.vector_load %arg4[%get3A_180, %get3A_181, %get3A_182] {strides = array<i32>} : memref<108x8x128xf32, #tpu.memory_space<vmem>>, vector<16xf32>,
        %gt3A_184 = arith.constant 5.000000e-01 : f32
        %gt3A_185 = vector.broadcast %gt3A_184 : f32 to vector<16xf32>
        %gt3A_186 = arith.cmpf ogt, %get3A_183, %gt3A_185 : vector<16xf32>
        %jit3A_187 = arith.constant 5 : i32
        %broadcast_in_dim3A_188 = vector.broadcast %jit3A_187 : i32 to vector<16xi32>
        %select_n3A_189 = arith.select %gt3A_186, %broadcast_in_dim3A_188, %broadcast_in_dim3A_121 : vector<16xi1>, vector<16xi32>
        %min3A_190 = arith.minsi %min3A_178, %select_n3A_189 : vector<16xi32>
        %get3A_191 = arith.constant 9 : i32
        %get3A_192 = arith.index_cast %get3A_191 : i32 to index
        %get3A_193 = arith.index_cast %select_n3A_102 : i32 to index
        %get3A_194 = arith.index_cast %mul3A_120 : i32 to index
        %get3A_195 = tpu.vector_load %arg4[%get3A_192, %get3A_193, %get3A_194] {strides = array<i32>} : memref<108x8x128xf32, #tpu.memory_space<vmem>>, vector<16xf32>,
        %gt3A_196 = arith.constant 5.000000e-01 : f32
        %gt3A_197 = vector.broadcast %gt3A_196 : f32 to vector<16xf32>
        %gt3A_198 = arith.cmpf ogt, %get3A_195, %gt3A_197 : vector<16xf32>
        %jit3A_199 = arith.constant 6 : i32
        %broadcast_in_dim3A_200 = vector.broadcast %jit3A_199 : i32 to vector<16xi32>
        %select_n3A_201 = arith.select %gt3A_198, %broadcast_in_dim3A_200, %broadcast_in_dim3A_121 : vector<16xi1>, vector<16xi32>
        %min3A_202 = arith.minsi %min3A_190, %select_n3A_201 : vector<16xi32>
        %get3A_203 = arith.constant 10 : i32
        %get3A_204 = arith.index_cast %get3A_203 : i32 to index
        %get3A_205 = arith.index_cast %select_n3A_102 : i32 to index
        %get3A_206 = arith.index_cast %mul3A_120 : i32 to index
        %get3A_207 = tpu.vector_load %arg4[%get3A_204, %get3A_205, %get3A_206] {strides = array<i32>} : memref<108x8x128xf32, #tpu.memory_space<vmem>>, vector<16xf32>,
        %gt3A_208 = arith.constant 5.000000e-01 : f32
        %gt3A_209 = vector.broadcast %gt3A_208 : f32 to vector<16xf32>
        %gt3A_210 = arith.cmpf ogt, %get3A_207, %gt3A_209 : vector<16xf32>
        %jit3A_211 = arith.constant 7 : i32
        %broadcast_in_dim3A_212 = vector.broadcast %jit3A_211 : i32 to vector<16xi32>
        %select_n3A_213 = arith.select %gt3A_210, %broadcast_in_dim3A_212, %broadcast_in_dim3A_121 : vector<16xi1>, vector<16xi32>
        %min3A_214 = arith.minsi %min3A_202, %select_n3A_213 : vector<16xi32>
        %get3A_215 = arith.constant 11 : i32
        %get3A_216 = arith.index_cast %get3A_215 : i32 to index
        %get3A_217 = arith.index_cast %select_n3A_102 : i32 to index
        %get3A_218 = arith.index_cast %mul3A_120 : i32 to index
        %get3A_219 = tpu.vector_load %arg4[%get3A_216, %get3A_217, %get3A_218] {strides = array<i32>} : memref<108x8x128xf32, #tpu.memory_space<vmem>>, vector<16xf32>,
        %gt3A_220 = arith.constant 5.000000e-01 : f32
        %gt3A_221 = vector.broadcast %gt3A_220 : f32 to vector<16xf32>
        %gt3A_222 = arith.cmpf ogt, %get3A_219, %gt3A_221 : vector<16xf32>
        %jit3A_223 = arith.constant 8 : i32
        %broadcast_in_dim3A_224 = vector.broadcast %jit3A_223 : i32 to vector<16xi32>
        %select_n3A_225 = arith.select %gt3A_222, %broadcast_in_dim3A_224, %broadcast_in_dim3A_121 : vector<16xi1>, vector<16xi32>
        %min3A_226 = arith.minsi %min3A_214, %select_n3A_225 : vector<16xi32>
        %get3A_227 = arith.constant 12 : i32
        %get3A_228 = arith.index_cast %get3A_227 : i32 to index
        %get3A_229 = arith.index_cast %select_n3A_102 : i32 to index
        %get3A_230 = arith.index_cast %mul3A_120 : i32 to index
        %get3A_231 = tpu.vector_load %arg4[%get3A_228, %get3A_229, %get3A_230] {strides = array<i32>} : memref<108x8x128xf32, #tpu.memory_space<vmem>>, vector<16xf32>,
        %gt3A_232 = arith.constant 5.000000e-01 : f32
        %gt3A_233 = vector.broadcast %gt3A_232 : f32 to vector<16xf32>
        %gt3A_234 = arith.cmpf ogt, %get3A_231, %gt3A_233 : vector<16xf32>
        %jit3A_235 = arith.constant 9 : i32
        %broadcast_in_dim3A_236 = vector.broadcast %jit3A_235 : i32 to vector<16xi32>
        %select_n3A_237 = arith.select %gt3A_234, %broadcast_in_dim3A_236, %broadcast_in_dim3A_121 : vector<16xi1>, vector<16xi32>
        %min3A_238 = arith.minsi %min3A_226, %select_n3A_237 : vector<16xi32>
        %get3A_239 = arith.constant 13 : i32
        %get3A_240 = arith.index_cast %get3A_239 : i32 to index
        %get3A_241 = arith.index_cast %select_n3A_102 : i32 to index
        %get3A_242 = arith.index_cast %mul3A_120 : i32 to index
        %get3A_243 = tpu.vector_load %arg4[%get3A_240, %get3A_241, %get3A_242] {strides = array<i32>} : memref<108x8x128xf32, #tpu.memory_space<vmem>>, vector<16xf32>,
        %gt3A_244 = arith.constant 5.000000e-01 : f32
        %gt3A_245 = vector.broadcast %gt3A_244 : f32 to vector<16xf32>
        %gt3A_246 = arith.cmpf ogt, %get3A_243, %gt3A_245 : vector<16xf32>
        %jit3A_247 = arith.constant 10 : i32
        %broadcast_in_dim3A_248 = vector.broadcast %jit3A_247 : i32 to vector<16xi32>
        %select_n3A_249 = arith.select %gt3A_246, %broadcast_in_dim3A_248, %broadcast_in_dim3A_121 : vector<16xi1>, vector<16xi32>
        %min3A_250 = arith.minsi %min3A_238, %select_n3A_249 : vector<16xi32>
        %get3A_251 = arith.constant 14 : i32
        %get3A_252 = arith.index_cast %get3A_251 : i32 to index
        %get3A_253 = arith.index_cast %select_n3A_102 : i32 to index
        %get3A_254 = arith.index_cast %mul3A_120 : i32 to index
        %get3A_255 = tpu.vector_load %arg4[%get3A_252, %get3A_253, %get3A_254] {strides = array<i32>} : memref<108x8x128xf32, #tpu.memory_space<vmem>>, vector<16xf32>,
        %gt3A_256 = arith.constant 5.000000e-01 : f32
        %gt3A_257 = vector.broadcast %gt3A_256 : f32 to vector<16xf32>
        %gt3A_258 = arith.cmpf ogt, %get3A_255, %gt3A_257 : vector<16xf32>
        %jit3A_259 = arith.constant 11 : i32
        %broadcast_in_dim3A_260 = vector.broadcast %jit3A_259 : i32 to vector<16xi32>
        %select_n3A_261 = arith.select %gt3A_258, %broadcast_in_dim3A_260, %broadcast_in_dim3A_121 : vector<16xi1>, vector<16xi32>
        %min3A_262 = arith.minsi %min3A_250, %select_n3A_261 : vector<16xi32>
        %get3A_263 = arith.constant 15 : i32
        %get3A_264 = arith.index_cast %get3A_263 : i32 to index
        %get3A_265 = arith.index_cast %select_n3A_102 : i32 to index
        %get3A_266 = arith.index_cast %mul3A_120 : i32 to index
        %get3A_267 = tpu.vector_load %arg4[%get3A_264, %get3A_265, %get3A_266] {strides = array<i32>} : memref<108x8x128xf32, #tpu.memory_space<vmem>>, vector<16xf32>,
        %gt3A_268 = arith.constant 5.000000e-01 : f32
        %gt3A_269 = vector.broadcast %gt3A_268 : f32 to vector<16xf32>
        %gt3A_270 = arith.cmpf ogt, %get3A_267, %gt3A_269 : vector<16xf32>
        %jit3A_271 = arith.constant 12 : i32
        %broadcast_in_dim3A_272 = vector.broadcast %jit3A_271 : i32 to vector<16xi32>
        %select_n3A_273 = arith.select %gt3A_270, %broadcast_in_dim3A_272, %broadcast_in_dim3A_121 : vector<16xi1>, vector<16xi32>
        %min3A_274 = arith.minsi %min3A_262, %select_n3A_273 : vector<16xi32>
        %get3A_275 = arith.constant 16 : i32
        %get3A_276 = arith.index_cast %get3A_275 : i32 to index
        %get3A_277 = arith.index_cast %select_n3A_102 : i32 to index
        %get3A_278 = arith.index_cast %mul3A_120 : i32 to index
        %get3A_279 = tpu.vector_load %arg4[%get3A_276, %get3A_277, %get3A_278] {strides = array<i32>} : memref<108x8x128xf32, #tpu.memory_space<vmem>>, vector<16xf32>,
        %gt3A_280 = arith.constant 5.000000e-01 : f32
        %gt3A_281 = vector.broadcast %gt3A_280 : f32 to vector<16xf32>
        %gt3A_282 = arith.cmpf ogt, %get3A_279, %gt3A_281 : vector<16xf32>
        %jit3A_283 = arith.constant 13 : i32
        %broadcast_in_dim3A_284 = vector.broadcast %jit3A_283 : i32 to vector<16xi32>
        %select_n3A_285 = arith.select %gt3A_282, %broadcast_in_dim3A_284, %broadcast_in_dim3A_121 : vector<16xi1>, vector<16xi32>
        %min3A_286 = arith.minsi %min3A_274, %select_n3A_285 : vector<16xi32>
        %get3A_287 = arith.constant 17 : i32
        %get3A_288 = arith.index_cast %get3A_287 : i32 to index
        %get3A_289 = arith.index_cast %select_n3A_102 : i32 to index
        %get3A_290 = arith.index_cast %mul3A_120 : i32 to index
        %get3A_291 = tpu.vector_load %arg4[%get3A_288, %get3A_289, %get3A_290] {strides = array<i32>} : memref<108x8x128xf32, #tpu.memory_space<vmem>>, vector<16xf32>,
        %gt3A_292 = arith.constant 5.000000e-01 : f32
        %gt3A_293 = vector.broadcast %gt3A_292 : f32 to vector<16xf32>
        %gt3A_294 = arith.cmpf ogt, %get3A_291, %gt3A_293 : vector<16xf32>
        %jit3A_295 = arith.constant 14 : i32
        %broadcast_in_dim3A_296 = vector.broadcast %jit3A_295 : i32 to vector<16xi32>
        %select_n3A_297 = arith.select %gt3A_294, %broadcast_in_dim3A_296, %broadcast_in_dim3A_121 : vector<16xi1>, vector<16xi32>
        %min3A_298 = arith.minsi %min3A_286, %select_n3A_297 : vector<16xi32>
        %get3A_299 = arith.constant 18 : i32
        %get3A_300 = arith.index_cast %get3A_299 : i32 to index
        %get3A_301 = arith.index_cast %select_n3A_102 : i32 to index
        %get3A_302 = arith.index_cast %mul3A_120 : i32 to index
        %get3A_303 = tpu.vector_load %arg4[%get3A_300, %get3A_301, %get3A_302] {strides = array<i32>} : memref<108x8x128xf32, #tpu.memory_space<vmem>>, vector<16xf32>,
        %gt3A_304 = arith.constant 5.000000e-01 : f32
        %gt3A_305 = vector.broadcast %gt3A_304 : f32 to vector<16xf32>
        %gt3A_306 = arith.cmpf ogt, %get3A_303, %gt3A_305 : vector<16xf32>
        %jit3A_307 = arith.constant 15 : i32
        %broadcast_in_dim3A_308 = vector.broadcast %jit3A_307 : i32 to vector<16xi32>
        %select_n3A_309 = arith.select %gt3A_306, %broadcast_in_dim3A_308, %broadcast_in_dim3A_121 : vector<16xi1>, vector<16xi32>
        %min3A_310 = arith.minsi %min3A_298, %select_n3A_309 : vector<16xi32>
        %get3A_311 = arith.constant 19 : i32
        %get3A_312 = arith.index_cast %get3A_311 : i32 to index
        %get3A_313 = arith.index_cast %select_n3A_102 : i32 to index
        %get3A_314 = arith.index_cast %mul3A_120 : i32 to index
        %get3A_315 = tpu.vector_load %arg4[%get3A_312, %get3A_313, %get3A_314] {strides = array<i32>} : memref<108x8x128xf32, #tpu.memory_space<vmem>>, vector<16xf32>,
        %gt3A_316 = arith.constant 5.000000e-01 : f32
        %gt3A_317 = vector.broadcast %gt3A_316 : f32 to vector<16xf32>
        %gt3A_318 = arith.cmpf ogt, %get3A_315, %gt3A_317 : vector<16xf32>
        %jit3A_319 = arith.constant 0 : i32
        %broadcast_in_dim3A_320 = vector.broadcast %jit3A_319 : i32 to vector<16xi32>
        %select_n3A_321 = arith.select %gt3A_318, %broadcast_in_dim3A_320, %broadcast_in_dim3A_121 : vector<16xi1>, vector<16xi32>
        %min3A_322 = arith.minsi %broadcast_in_dim3A_121, %select_n3A_321 : vector<16xi32>
        %get3A_323 = arith.constant 20 : i32
        %get3A_324 = arith.index_cast %get3A_323 : i32 to index
        %get3A_325 = arith.index_cast %select_n3A_102 : i32 to index
        %get3A_326 = arith.index_cast %mul3A_120 : i32 to index
        %get3A_327 = tpu.vector_load %arg4[%get3A_324, %get3A_325, %get3A_326] {strides = array<i32>} : memref<108x8x128xf32, #tpu.memory_space<vmem>>, vector<16xf32>,
        %gt3A_328 = arith.constant 5.000000e-01 : f32
        %gt3A_329 = vector.broadcast %gt3A_328 : f32 to vector<16xf32>
        %gt3A_330 = arith.cmpf ogt, %get3A_327, %gt3A_329 : vector<16xf32>
        %jit3A_331 = arith.constant 1 : i32
        %broadcast_in_dim3A_332 = vector.broadcast %jit3A_331 : i32 to vector<16xi32>
        %select_n3A_333 = arith.select %gt3A_330, %broadcast_in_dim3A_332, %broadcast_in_dim3A_121 : vector<16xi1>, vector<16xi32>
        %min3A_334 = arith.minsi %min3A_322, %select_n3A_333 : vector<16xi32>
        %get3A_335 = arith.constant 21 : i32
        %get3A_336 = arith.index_cast %get3A_335 : i32 to index
        %get3A_337 = arith.index_cast %select_n3A_102 : i32 to index
        %get3A_338 = arith.index_cast %mul3A_120 : i32 to index
        %get3A_339 = tpu.vector_load %arg4[%get3A_336, %get3A_337, %get3A_338] {strides = array<i32>} : memref<108x8x128xf32, #tpu.memory_space<vmem>>, vector<16xf32>,
        %gt3A_340 = arith.constant 5.000000e-01 : f32
        %gt3A_341 = vector.broadcast %gt3A_340 : f32 to vector<16xf32>
        %gt3A_342 = arith.cmpf ogt, %get3A_339, %gt3A_341 : vector<16xf32>
        %jit3A_343 = arith.constant 2 : i32
        %broadcast_in_dim3A_344 = vector.broadcast %jit3A_343 : i32 to vector<16xi32>
        %select_n3A_345 = arith.select %gt3A_342, %broadcast_in_dim3A_344, %broadcast_in_dim3A_121 : vector<16xi1>, vector<16xi32>
        %min3A_346 = arith.minsi %min3A_334, %select_n3A_345 : vector<16xi32>
        %get3A_347 = arith.constant 22 : i32
        %get3A_348 = arith.index_cast %get3A_347 : i32 to index
        %get3A_349 = arith.index_cast %select_n3A_102 : i32 to index
        %get3A_350 = arith.index_cast %mul3A_120 : i32 to index
        %get3A_351 = tpu.vector_load %arg4[%get3A_348, %get3A_349, %get3A_350] {strides = array<i32>} : memref<108x8x128xf32, #tpu.memory_space<vmem>>, vector<16xf32>,
        %gt3A_352 = arith.constant 5.000000e-01 : f32
        %gt3A_353 = vector.broadcast %gt3A_352 : f32 to vector<16xf32>
        %gt3A_354 = arith.cmpf ogt, %get3A_351, %gt3A_353 : vector<16xf32>
        %jit3A_355 = arith.constant 3 : i32
        %broadcast_in_dim3A_356 = vector.broadcast %jit3A_355 : i32 to vector<16xi32>
        %select_n3A_357 = arith.select %gt3A_354, %broadcast_in_dim3A_356, %broadcast_in_dim3A_121 : vector<16xi1>, vector<16xi32>
        %min3A_358 = arith.minsi %min3A_346, %select_n3A_357 : vector<16xi32>
        %get3A_359 = arith.constant 23 : i32
        %get3A_360 = arith.index_cast %get3A_359 : i32 to index
        %get3A_361 = arith.index_cast %select_n3A_102 : i32 to index
        %get3A_362 = arith.index_cast %mul3A_120 : i32 to index
        %get3A_363 = tpu.vector_load %arg4[%get3A_360, %get3A_361, %get3A_362] {strides = array<i32>} : memref<108x8x128xf32, #tpu.memory_space<vmem>>, vector<16xf32>,
        %gt3A_364 = arith.constant 5.000000e-01 : f32
        %gt3A_365 = vector.broadcast %gt3A_364 : f32 to vector<16xf32>
        %gt3A_366 = arith.cmpf ogt, %get3A_363, %gt3A_365 : vector<16xf32>
        %jit3A_367 = arith.constant 4 : i32
        %broadcast_in_dim3A_368 = vector.broadcast %jit3A_367 : i32 to vector<16xi32>
        %select_n3A_369 = arith.select %gt3A_366, %broadcast_in_dim3A_368, %broadcast_in_dim3A_121 : vector<16xi1>, vector<16xi32>
        %min3A_370 = arith.minsi %min3A_358, %select_n3A_369 : vector<16xi32>
        %get3A_371 = arith.constant 24 : i32
        %get3A_372 = arith.index_cast %get3A_371 : i32 to index
        %get3A_373 = arith.index_cast %select_n3A_102 : i32 to index
        %get3A_374 = arith.index_cast %mul3A_120 : i32 to index
        %get3A_375 = tpu.vector_load %arg4[%get3A_372, %get3A_373, %get3A_374] {strides = array<i32>} : memref<108x8x128xf32, #tpu.memory_space<vmem>>, vector<16xf32>,
        %gt3A_376 = arith.constant 5.000000e-01 : f32
        %gt3A_377 = vector.broadcast %gt3A_376 : f32 to vector<16xf32>
        %gt3A_378 = arith.cmpf ogt, %get3A_375, %gt3A_377 : vector<16xf32>
        %jit3A_379 = arith.constant 5 : i32
        %broadcast_in_dim3A_380 = vector.broadcast %jit3A_379 : i32 to vector<16xi32>
        %select_n3A_381 = arith.select %gt3A_378, %broadcast_in_dim3A_380, %broadcast_in_dim3A_121 : vector<16xi1>, vector<16xi32>
        %min3A_382 = arith.minsi %min3A_370, %select_n3A_381 : vector<16xi32>
        %get3A_383 = arith.constant 25 : i32
        %get3A_384 = arith.index_cast %get3A_383 : i32 to index
        %get3A_385 = arith.index_cast %select_n3A_102 : i32 to index
        %get3A_386 = arith.index_cast %mul3A_120 : i32 to index
        %get3A_387 = tpu.vector_load %arg4[%get3A_384, %get3A_385, %get3A_386] {strides = array<i32>} : memref<108x8x128xf32, #tpu.memory_space<vmem>>, vector<16xf32>,
        %gt3A_388 = arith.constant 5.000000e-01 : f32
        %gt3A_389 = vector.broadcast %gt3A_388 : f32 to vector<16xf32>
        %gt3A_390 = arith.cmpf ogt, %get3A_387, %gt3A_389 : vector<16xf32>
        %jit3A_391 = arith.constant 6 : i32
        %broadcast_in_dim3A_392 = vector.broadcast %jit3A_391 : i32 to vector<16xi32>
        %select_n3A_393 = arith.select %gt3A_390, %broadcast_in_dim3A_392, %broadcast_in_dim3A_121 : vector<16xi1>, vector<16xi32>
        %min3A_394 = arith.minsi %min3A_382, %select_n3A_393 : vector<16xi32>
        %get3A_395 = arith.constant 26 : i32
        %get3A_396 = arith.index_cast %get3A_395 : i32 to index
        %get3A_397 = arith.index_cast %select_n3A_102 : i32 to index
        %get3A_398 = arith.index_cast %mul3A_120 : i32 to index
        %get3A_399 = tpu.vector_load %arg4[%get3A_396, %get3A_397, %get3A_398] {strides = array<i32>} : memref<108x8x128xf32, #tpu.memory_space<vmem>>, vector<16xf32>,
        %gt3A_400 = arith.constant 5.000000e-01 : f32
        %gt3A_401 = vector.broadcast %gt3A_400 : f32 to vector<16xf32>
        %gt3A_402 = arith.cmpf ogt, %get3A_399, %gt3A_401 : vector<16xf32>
        %jit3A_403 = arith.constant 7 : i32
        %broadcast_in_dim3A_404 = vector.broadcast %jit3A_403 : i32 to vector<16xi32>
        %select_n3A_405 = arith.select %gt3A_402, %broadcast_in_dim3A_404, %broadcast_in_dim3A_121 : vector<16xi1>, vector<16xi32>
        %min3A_406 = arith.minsi %min3A_394, %select_n3A_405 : vector<16xi32>
        %get3A_407 = arith.constant 27 : i32
        %get3A_408 = arith.index_cast %get3A_407 : i32 to index
        %get3A_409 = arith.index_cast %select_n3A_102 : i32 to index
        %get3A_410 = arith.index_cast %mul3A_120 : i32 to index
        %get3A_411 = tpu.vector_load %arg4[%get3A_408, %get3A_409, %get3A_410] {strides = array<i32>} : memref<108x8x128xf32, #tpu.memory_space<vmem>>, vector<16xf32>,
        %gt3A_412 = arith.constant 5.000000e-01 : f32
        %gt3A_413 = vector.broadcast %gt3A_412 : f32 to vector<16xf32>
        %gt3A_414 = arith.cmpf ogt, %get3A_411, %gt3A_413 : vector<16xf32>
        %jit3A_415 = arith.constant 8 : i32
        %broadcast_in_dim3A_416 = vector.broadcast %jit3A_415 : i32 to vector<16xi32>
        %select_n3A_417 = arith.select %gt3A_414, %broadcast_in_dim3A_416, %broadcast_in_dim3A_121 : vector<16xi1>, vector<16xi32>
        %min3A_418 = arith.minsi %min3A_406, %select_n3A_417 : vector<16xi32>
        %get3A_419 = arith.constant 28 : i32
        %get3A_420 = arith.index_cast %get3A_419 : i32 to index
        %get3A_421 = arith.index_cast %select_n3A_102 : i32 to index
        %get3A_422 = arith.index_cast %mul3A_120 : i32 to index
        %get3A_423 = tpu.vector_load %arg4[%get3A_420, %get3A_421, %get3A_422] {strides = array<i32>} : memref<108x8x128xf32, #tpu.memory_space<vmem>>, vector<16xf32>,
        %gt3A_424 = arith.constant 5.000000e-01 : f32
        %gt3A_425 = vector.broadcast %gt3A_424 : f32 to vector<16xf32>
        %gt3A_426 = arith.cmpf ogt, %get3A_423, %gt3A_425 : vector<16xf32>
        %jit3A_427 = arith.constant 9 : i32
        %broadcast_in_dim3A_428 = vector.broadcast %jit3A_427 : i32 to vector<16xi32>
        %select_n3A_429 = arith.select %gt3A_426, %broadcast_in_dim3A_428, %broadcast_in_dim3A_121 : vector<16xi1>, vector<16xi32>
        %min3A_430 = arith.minsi %min3A_418, %select_n3A_429 : vector<16xi32>
        %get3A_431 = arith.constant 29 : i32
        %get3A_432 = arith.index_cast %get3A_431 : i32 to index
        %get3A_433 = arith.index_cast %select_n3A_102 : i32 to index
        %get3A_434 = arith.index_cast %mul3A_120 : i32 to index
        %get3A_435 = tpu.vector_load %arg4[%get3A_432, %get3A_433, %get3A_434] {strides = array<i32>} : memref<108x8x128xf32, #tpu.memory_space<vmem>>, vector<16xf32>,
        %gt3A_436 = arith.constant 5.000000e-01 : f32
        %gt3A_437 = vector.broadcast %gt3A_436 : f32 to vector<16xf32>
        %gt3A_438 = arith.cmpf ogt, %get3A_435, %gt3A_437 : vector<16xf32>
        %jit3A_439 = arith.constant 10 : i32
        %broadcast_in_dim3A_440 = vector.broadcast %jit3A_439 : i32 to vector<16xi32>
        %select_n3A_441 = arith.select %gt3A_438, %broadcast_in_dim3A_440, %broadcast_in_dim3A_121 : vector<16xi1>, vector<16xi32>
        %min3A_442 = arith.minsi %min3A_430, %select_n3A_441 : vector<16xi32>
        %get3A_443 = arith.constant 30 : i32
        %get3A_444 = arith.index_cast %get3A_443 : i32 to index
        %get3A_445 = arith.index_cast %select_n3A_102 : i32 to index
        %get3A_446 = arith.index_cast %mul3A_120 : i32 to index
        %get3A_447 = tpu.vector_load %arg4[%get3A_444, %get3A_445, %get3A_446] {strides = array<i32>} : memref<108x8x128xf32, #tpu.memory_space<vmem>>, vector<16xf32>,
        %gt3A_448 = arith.constant 5.000000e-01 : f32
        %gt3A_449 = vector.broadcast %gt3A_448 : f32 to vector<16xf32>
        %gt3A_450 = arith.cmpf ogt, %get3A_447, %gt3A_449 : vector<16xf32>
        %jit3A_451 = arith.constant 11 : i32
        %broadcast_in_dim3A_452 = vector.broadcast %jit3A_451 : i32 to vector<16xi32>
        %select_n3A_453 = arith.select %gt3A_450, %broadcast_in_dim3A_452, %broadcast_in_dim3A_121 : vector<16xi1>, vector<16xi32>
        %min3A_454 = arith.minsi %min3A_442, %select_n3A_453 : vector<16xi32>
        %get3A_455 = arith.constant 31 : i32
        %get3A_456 = arith.index_cast %get3A_455 : i32 to index
        %get3A_457 = arith.index_cast %select_n3A_102 : i32 to index
        %get3A_458 = arith.index_cast %mul3A_120 : i32 to index
        %get3A_459 = tpu.vector_load %arg4[%get3A_456, %get3A_457, %get3A_458] {strides = array<i32>} : memref<108x8x128xf32, #tpu.memory_space<vmem>>, vector<16xf32>,
        %gt3A_460 = arith.constant 5.000000e-01 : f32
        %gt3A_461 = vector.broadcast %gt3A_460 : f32 to vector<16xf32>
        %gt3A_462 = arith.cmpf ogt, %get3A_459, %gt3A_461 : vector<16xf32>
        %jit3A_463 = arith.constant 12 : i32
        %broadcast_in_dim3A_464 = vector.broadcast %jit3A_463 : i32 to vector<16xi32>
        %select_n3A_465 = arith.select %gt3A_462, %broadcast_in_dim3A_464, %broadcast_in_dim3A_121 : vector<16xi1>, vector<16xi32>
        %min3A_466 = arith.minsi %min3A_454, %select_n3A_465 : vector<16xi32>
        %get3A_467 = arith.constant 32 : i32
        %get3A_468 = arith.index_cast %get3A_467 : i32 to index
        %get3A_469 = arith.index_cast %select_n3A_102 : i32 to index
        %get3A_470 = arith.index_cast %mul3A_120 : i32 to index
        %get3A_471 = tpu.vector_load %arg4[%get3A_468, %get3A_469, %get3A_470] {strides = array<i32>} : memref<108x8x128xf32, #tpu.memory_space<vmem>>, vector<16xf32>,
        %gt3A_472 = arith.constant 5.000000e-01 : f32
        %gt3A_473 = vector.broadcast %gt3A_472 : f32 to vector<16xf32>
        %gt3A_474 = arith.cmpf ogt, %get3A_471, %gt3A_473 : vector<16xf32>
        %jit3A_475 = arith.constant 13 : i32
        %broadcast_in_dim3A_476 = vector.broadcast %jit3A_475 : i32 to vector<16xi32>
        %select_n3A_477 = arith.select %gt3A_474, %broadcast_in_dim3A_476, %broadcast_in_dim3A_121 : vector<16xi1>, vector<16xi32>
        %min3A_478 = arith.minsi %min3A_466, %select_n3A_477 : vector<16xi32>
        %get3A_479 = arith.constant 33 : i32
        %get3A_480 = arith.index_cast %get3A_479 : i32 to index
        %get3A_481 = arith.index_cast %select_n3A_102 : i32 to index
        %get3A_482 = arith.index_cast %mul3A_120 : i32 to index
        %get3A_483 = tpu.vector_load %arg4[%get3A_480, %get3A_481, %get3A_482] {strides = array<i32>} : memref<108x8x128xf32, #tpu.memory_space<vmem>>, vector<16xf32>,
        %gt3A_484 = arith.constant 5.000000e-01 : f32
        %gt3A_485 = vector.broadcast %gt3A_484 : f32 to vector<16xf32>
        %gt3A_486 = arith.cmpf ogt, %get3A_483, %gt3A_485 : vector<16xf32>
        %jit3A_487 = arith.constant 14 : i32
        %broadcast_in_dim3A_488 = vector.broadcast %jit3A_487 : i32 to vector<16xi32>
        %select_n3A_489 = arith.select %gt3A_486, %broadcast_in_dim3A_488, %broadcast_in_dim3A_121 : vector<16xi1>, vector<16xi32>
        %min3A_490 = arith.minsi %min3A_478, %select_n3A_489 : vector<16xi32>
        %get3A_491 = arith.constant 34 : i32
        %get3A_492 = arith.index_cast %get3A_491 : i32 to index
        %get3A_493 = arith.index_cast %select_n3A_102 : i32 to index
        %get3A_494 = arith.index_cast %mul3A_120 : i32 to index
        %get3A_495 = tpu.vector_load %arg4[%get3A_492, %get3A_493, %get3A_494] {strides = array<i32>} : memref<108x8x128xf32, #tpu.memory_space<vmem>>, vector<16xf32>,
        %gt3A_496 = arith.constant 5.000000e-01 : f32
        %gt3A_497 = vector.broadcast %gt3A_496 : f32 to vector<16xf32>
        %gt3A_498 = arith.cmpf ogt, %get3A_495, %gt3A_497 : vector<16xf32>
        %jit3A_499 = arith.constant 15 : i32
        %broadcast_in_dim3A_500 = vector.broadcast %jit3A_499 : i32 to vector<16xi32>
        %select_n3A_501 = arith.select %gt3A_498, %broadcast_in_dim3A_500, %broadcast_in_dim3A_121 : vector<16xi1>, vector<16xi32>
        %min3A_502 = arith.minsi %min3A_490, %select_n3A_501 : vector<16xi32>
        %get3A_503 = arith.constant 35 : i32
        %get3A_504 = arith.index_cast %get3A_503 : i32 to index
        %get3A_505 = arith.index_cast %select_n3A_102 : i32 to index
        %get3A_506 = arith.index_cast %mul3A_120 : i32 to index
        %get3A_507 = tpu.vector_load %arg4[%get3A_504, %get3A_505, %get3A_506] {strides = array<i32>} : memref<108x8x128xf32, #tpu.memory_space<vmem>>, vector<16xf32>,
        %gt3A_508 = arith.constant 5.000000e-01 : f32
        %gt3A_509 = vector.broadcast %gt3A_508 : f32 to vector<16xf32>
        %gt3A_510 = arith.cmpf ogt, %get3A_507, %gt3A_509 : vector<16xf32>
        %jit3A_511 = arith.constant 0 : i32
        %broadcast_in_dim3A_512 = vector.broadcast %jit3A_511 : i32 to vector<16xi32>
        %select_n3A_513 = arith.select %gt3A_510, %broadcast_in_dim3A_512, %broadcast_in_dim3A_121 : vector<16xi1>, vector<16xi32>
        %min3A_514 = arith.minsi %broadcast_in_dim3A_121, %select_n3A_513 : vector<16xi32>
        %get3A_515 = arith.constant 36 : i32
        %get3A_516 = arith.index_cast %get3A_515 : i32 to index
        %get3A_517 = arith.index_cast %select_n3A_102 : i32 to index
        %get3A_518 = arith.index_cast %mul3A_120 : i32 to index
        %get3A_519 = tpu.vector_load %arg4[%get3A_516, %get3A_517, %get3A_518] {strides = array<i32>} : memref<108x8x128xf32, #tpu.memory_space<vmem>>, vector<16xf32>,
        %gt3A_520 = arith.constant 5.000000e-01 : f32
        %gt3A_521 = vector.broadcast %gt3A_520 : f32 to vector<16xf32>
        %gt3A_522 = arith.cmpf ogt, %get3A_519, %gt3A_521 : vector<16xf32>
        %jit3A_523 = arith.constant 1 : i32
        %broadcast_in_dim3A_524 = vector.broadcast %jit3A_523 : i32 to vector<16xi32>
        %select_n3A_525 = arith.select %gt3A_522, %broadcast_in_dim3A_524, %broadcast_in_dim3A_121 : vector<16xi1>, vector<16xi32>
        %min3A_526 = arith.minsi %min3A_514, %select_n3A_525 : vector<16xi32>
        %get3A_527 = arith.constant 37 : i32
        %get3A_528 = arith.index_cast %get3A_527 : i32 to index
        %get3A_529 = arith.index_cast %select_n3A_102 : i32 to index
        %get3A_530 = arith.index_cast %mul3A_120 : i32 to index
        %get3A_531 = tpu.vector_load %arg4[%get3A_528, %get3A_529, %get3A_530] {strides = array<i32>} : memref<108x8x128xf32, #tpu.memory_space<vmem>>, vector<16xf32>,
        %gt3A_532 = arith.constant 5.000000e-01 : f32
        %gt3A_533 = vector.broadcast %gt3A_532 : f32 to vector<16xf32>
        %gt3A_534 = arith.cmpf ogt, %get3A_531, %gt3A_533 : vector<16xf32>
        %jit3A_535 = arith.constant 2 : i32
        %broadcast_in_dim3A_536 = vector.broadcast %jit3A_535 : i32 to vector<16xi32>
        %select_n3A_537 = arith.select %gt3A_534, %broadcast_in_dim3A_536, %broadcast_in_dim3A_121 : vector<16xi1>, vector<16xi32>
        %min3A_538 = arith.minsi %min3A_526, %select_n3A_537 : vector<16xi32>
        %get3A_539 = arith.constant 38 : i32
        %get3A_540 = arith.index_cast %get3A_539 : i32 to index
        %get3A_541 = arith.index_cast %select_n3A_102 : i32 to index
        %get3A_542 = arith.index_cast %mul3A_120 : i32 to index
        %get3A_543 = tpu.vector_load %arg4[%get3A_540, %get3A_541, %get3A_542] {strides = array<i32>} : memref<108x8x128xf32, #tpu.memory_space<vmem>>, vector<16xf32>,
        %gt3A_544 = arith.constant 5.000000e-01 : f32
        %gt3A_545 = vector.broadcast %gt3A_544 : f32 to vector<16xf32>
        %gt3A_546 = arith.cmpf ogt, %get3A_543, %gt3A_545 : vector<16xf32>
        %jit3A_547 = arith.constant 3 : i32
        %broadcast_in_dim3A_548 = vector.broadcast %jit3A_547 : i32 to vector<16xi32>
        %select_n3A_549 = arith.select %gt3A_546, %broadcast_in_dim3A_548, %broadcast_in_dim3A_121 : vector<16xi1>, vector<16xi32>
        %min3A_550 = arith.minsi %min3A_538, %select_n3A_549 : vector<16xi32>
        %get3A_551 = arith.constant 39 : i32
        %get3A_552 = arith.index_cast %get3A_551 : i32 to index
        %get3A_553 = arith.index_cast %select_n3A_102 : i32 to index
        %get3A_554 = arith.index_cast %mul3A_120 : i32 to index
        %get3A_555 = tpu.vector_load %arg4[%get3A_552, %get3A_553, %get3A_554] {strides = array<i32>} : memref<108x8x128xf32, #tpu.memory_space<vmem>>, vector<16xf32>,
        %gt3A_556 = arith.constant 5.000000e-01 : f32
        %gt3A_557 = vector.broadcast %gt3A_556 : f32 to vector<16xf32>
        %gt3A_558 = arith.cmpf ogt, %get3A_555, %gt3A_557 : vector<16xf32>
        %jit3A_559 = arith.constant 4 : i32
        %broadcast_in_dim3A_560 = vector.broadcast %jit3A_559 : i32 to vector<16xi32>
        %select_n3A_561 = arith.select %gt3A_558, %broadcast_in_dim3A_560, %broadcast_in_dim3A_121 : vector<16xi1>, vector<16xi32>
        %min3A_562 = arith.minsi %min3A_550, %select_n3A_561 : vector<16xi32>
        %get3A_563 = arith.constant 40 : i32
        %get3A_564 = arith.index_cast %get3A_563 : i32 to index
        %get3A_565 = arith.index_cast %select_n3A_102 : i32 to index
        %get3A_566 = arith.index_cast %mul3A_120 : i32 to index
        %get3A_567 = tpu.vector_load %arg4[%get3A_564, %get3A_565, %get3A_566] {strides = array<i32>} : memref<108x8x128xf32, #tpu.memory_space<vmem>>, vector<16xf32>,
        %gt3A_568 = arith.constant 5.000000e-01 : f32
        %gt3A_569 = vector.broadcast %gt3A_568 : f32 to vector<16xf32>
        %gt3A_570 = arith.cmpf ogt, %get3A_567, %gt3A_569 : vector<16xf32>
        %jit3A_571 = arith.constant 5 : i32
        %broadcast_in_dim3A_572 = vector.broadcast %jit3A_571 : i32 to vector<16xi32>
        %select_n3A_573 = arith.select %gt3A_570, %broadcast_in_dim3A_572, %broadcast_in_dim3A_121 : vector<16xi1>, vector<16xi32>
        %min3A_574 = arith.minsi %min3A_562, %select_n3A_573 : vector<16xi32>
        %get3A_575 = arith.constant 41 : i32
        %get3A_576 = arith.index_cast %get3A_575 : i32 to index
        %get3A_577 = arith.index_cast %select_n3A_102 : i32 to index
        %get3A_578 = arith.index_cast %mul3A_120 : i32 to index
        %get3A_579 = tpu.vector_load %arg4[%get3A_576, %get3A_577, %get3A_578] {strides = array<i32>} : memref<108x8x128xf32, #tpu.memory_space<vmem>>, vector<16xf32>,
        %gt3A_580 = arith.constant 5.000000e-01 : f32
        %gt3A_581 = vector.broadcast %gt3A_580 : f32 to vector<16xf32>
        %gt3A_582 = arith.cmpf ogt, %get3A_579, %gt3A_581 : vector<16xf32>
        %jit3A_583 = arith.constant 6 : i32
        %broadcast_in_dim3A_584 = vector.broadcast %jit3A_583 : i32 to vector<16xi32>
        %select_n3A_585 = arith.select %gt3A_582, %broadcast_in_dim3A_584, %broadcast_in_dim3A_121 : vector<16xi1>, vector<16xi32>
        %min3A_586 = arith.minsi %min3A_574, %select_n3A_585 : vector<16xi32>
        %get3A_587 = arith.constant 42 : i32
        %get3A_588 = arith.index_cast %get3A_587 : i32 to index
        %get3A_589 = arith.index_cast %select_n3A_102 : i32 to index
        %get3A_590 = arith.index_cast %mul3A_120 : i32 to index
        %get3A_591 = tpu.vector_load %arg4[%get3A_588, %get3A_589, %get3A_590] {strides = array<i32>} : memref<108x8x128xf32, #tpu.memory_space<vmem>>, vector<16xf32>,
        %gt3A_592 = arith.constant 5.000000e-01 : f32
        %gt3A_593 = vector.broadcast %gt3A_592 : f32 to vector<16xf32>
        %gt3A_594 = arith.cmpf ogt, %get3A_591, %gt3A_593 : vector<16xf32>
        %jit3A_595 = arith.constant 7 : i32
        %broadcast_in_dim3A_596 = vector.broadcast %jit3A_595 : i32 to vector<16xi32>
        %select_n3A_597 = arith.select %gt3A_594, %broadcast_in_dim3A_596, %broadcast_in_dim3A_121 : vector<16xi1>, vector<16xi32>
        %min3A_598 = arith.minsi %min3A_586, %select_n3A_597 : vector<16xi32>
        %get3A_599 = arith.constant 43 : i32
        %get3A_600 = arith.index_cast %get3A_599 : i32 to index
        %get3A_601 = arith.index_cast %select_n3A_102 : i32 to index
        %get3A_602 = arith.index_cast %mul3A_120 : i32 to index
        %get3A_603 = tpu.vector_load %arg4[%get3A_600, %get3A_601, %get3A_602] {strides = array<i32>} : memref<108x8x128xf32, #tpu.memory_space<vmem>>, vector<16xf32>,
        %gt3A_604 = arith.constant 5.000000e-01 : f32
        %gt3A_605 = vector.broadcast %gt3A_604 : f32 to vector<16xf32>
        %gt3A_606 = arith.cmpf ogt, %get3A_603, %gt3A_605 : vector<16xf32>
        %jit3A_607 = arith.constant 8 : i32
        %broadcast_in_dim3A_608 = vector.broadcast %jit3A_607 : i32 to vector<16xi32>
        %select_n3A_609 = arith.select %gt3A_606, %broadcast_in_dim3A_608, %broadcast_in_dim3A_121 : vector<16xi1>, vector<16xi32>
        %min3A_610 = arith.minsi %min3A_598, %select_n3A_609 : vector<16xi32>
        %get3A_611 = arith.constant 44 : i32
        %get3A_612 = arith.index_cast %get3A_611 : i32 to index
        %get3A_613 = arith.index_cast %select_n3A_102 : i32 to index
        %get3A_614 = arith.index_cast %mul3A_120 : i32 to index
        %get3A_615 = tpu.vector_load %arg4[%get3A_612, %get3A_613, %get3A_614] {strides = array<i32>} : memref<108x8x128xf32, #tpu.memory_space<vmem>>, vector<16xf32>,
        %gt3A_616 = arith.constant 5.000000e-01 : f32
        %gt3A_617 = vector.broadcast %gt3A_616 : f32 to vector<16xf32>
        %gt3A_618 = arith.cmpf ogt, %get3A_615, %gt3A_617 : vector<16xf32>
        %jit3A_619 = arith.constant 9 : i32
        %broadcast_in_dim3A_620 = vector.broadcast %jit3A_619 : i32 to vector<16xi32>
        %select_n3A_621 = arith.select %gt3A_618, %broadcast_in_dim3A_620, %broadcast_in_dim3A_121 : vector<16xi1>, vector<16xi32>
        %min3A_622 = arith.minsi %min3A_610, %select_n3A_621 : vector<16xi32>
        %get3A_623 = arith.constant 45 : i32
        %get3A_624 = arith.index_cast %get3A_623 : i32 to index
        %get3A_625 = arith.index_cast %select_n3A_102 : i32 to index
        %get3A_626 = arith.index_cast %mul3A_120 : i32 to index
        %get3A_627 = tpu.vector_load %arg4[%get3A_624, %get3A_625, %get3A_626] {strides = array<i32>} : memref<108x8x128xf32, #tpu.memory_space<vmem>>, vector<16xf32>,
        %gt3A_628 = arith.constant 5.000000e-01 : f32
        %gt3A_629 = vector.broadcast %gt3A_628 : f32 to vector<16xf32>
        %gt3A_630 = arith.cmpf ogt, %get3A_627, %gt3A_629 : vector<16xf32>
        %jit3A_631 = arith.constant 10 : i32
        %broadcast_in_dim3A_632 = vector.broadcast %jit3A_631 : i32 to vector<16xi32>
        %select_n3A_633 = arith.select %gt3A_630, %broadcast_in_dim3A_632, %broadcast_in_dim3A_121 : vector<16xi1>, vector<16xi32>
        %min3A_634 = arith.minsi %min3A_622, %select_n3A_633 : vector<16xi32>
        %get3A_635 = arith.constant 46 : i32
        %get3A_636 = arith.index_cast %get3A_635 : i32 to index
        %get3A_637 = arith.index_cast %select_n3A_102 : i32 to index
        %get3A_638 = arith.index_cast %mul3A_120 : i32 to index
        %get3A_639 = tpu.vector_load %arg4[%get3A_636, %get3A_637, %get3A_638] {strides = array<i32>} : memref<108x8x128xf32, #tpu.memory_space<vmem>>, vector<16xf32>,
        %gt3A_640 = arith.constant 5.000000e-01 : f32
        %gt3A_641 = vector.broadcast %gt3A_640 : f32 to vector<16xf32>
        %gt3A_642 = arith.cmpf ogt, %get3A_639, %gt3A_641 : vector<16xf32>
        %jit3A_643 = arith.constant 11 : i32
        %broadcast_in_dim3A_644 = vector.broadcast %jit3A_643 : i32 to vector<16xi32>
        %select_n3A_645 = arith.select %gt3A_642, %broadcast_in_dim3A_644, %broadcast_in_dim3A_121 : vector<16xi1>, vector<16xi32>
        %min3A_646 = arith.minsi %min3A_634, %select_n3A_645 : vector<16xi32>
        %get3A_647 = arith.constant 47 : i32
        %get3A_648 = arith.index_cast %get3A_647 : i32 to index
        %get3A_649 = arith.index_cast %select_n3A_102 : i32 to index
        %get3A_650 = arith.index_cast %mul3A_120 : i32 to index
        %get3A_651 = tpu.vector_load %arg4[%get3A_648, %get3A_649, %get3A_650] {strides = array<i32>} : memref<108x8x128xf32, #tpu.memory_space<vmem>>, vector<16xf32>,
        %gt3A_652 = arith.constant 5.000000e-01 : f32
        %gt3A_653 = vector.broadcast %gt3A_652 : f32 to vector<16xf32>
        %gt3A_654 = arith.cmpf ogt, %get3A_651, %gt3A_653 : vector<16xf32>
        %jit3A_655 = arith.constant 12 : i32
        %broadcast_in_dim3A_656 = vector.broadcast %jit3A_655 : i32 to vector<16xi32>
        %select_n3A_657 = arith.select %gt3A_654, %broadcast_in_dim3A_656, %broadcast_in_dim3A_121 : vector<16xi1>, vector<16xi32>
        %min3A_658 = arith.minsi %min3A_646, %select_n3A_657 : vector<16xi32>
        %get3A_659 = arith.constant 48 : i32
        %get3A_660 = arith.index_cast %get3A_659 : i32 to index
        %get3A_661 = arith.index_cast %select_n3A_102 : i32 to index
        %get3A_662 = arith.index_cast %mul3A_120 : i32 to index
        %get3A_663 = tpu.vector_load %arg4[%get3A_660, %get3A_661, %get3A_662] {strides = array<i32>} : memref<108x8x128xf32, #tpu.memory_space<vmem>>, vector<16xf32>,
        %gt3A_664 = arith.constant 5.000000e-01 : f32
        %gt3A_665 = vector.broadcast %gt3A_664 : f32 to vector<16xf32>
        %gt3A_666 = arith.cmpf ogt, %get3A_663, %gt3A_665 : vector<16xf32>
        %jit3A_667 = arith.constant 13 : i32
        %broadcast_in_dim3A_668 = vector.broadcast %jit3A_667 : i32 to vector<16xi32>
        %select_n3A_669 = arith.select %gt3A_666, %broadcast_in_dim3A_668, %broadcast_in_dim3A_121 : vector<16xi1>, vector<16xi32>
        %min3A_670 = arith.minsi %min3A_658, %select_n3A_669 : vector<16xi32>
        %get3A_671 = arith.constant 49 : i32
        %get3A_672 = arith.index_cast %get3A_671 : i32 to index
        %get3A_673 = arith.index_cast %select_n3A_102 : i32 to index
        %get3A_674 = arith.index_cast %mul3A_120 : i32 to index
        %get3A_675 = tpu.vector_load %arg4[%get3A_672, %get3A_673, %get3A_674] {strides = array<i32>} : memref<108x8x128xf32, #tpu.memory_space<vmem>>, vector<16xf32>,
        %gt3A_676 = arith.constant 5.000000e-01 : f32
        %gt3A_677 = vector.broadcast %gt3A_676 : f32 to vector<16xf32>
        %gt3A_678 = arith.cmpf ogt, %get3A_675, %gt3A_677 : vector<16xf32>
        %jit3A_679 = arith.constant 14 : i32
        %broadcast_in_dim3A_680 = vector.broadcast %jit3A_679 : i32 to vector<16xi32>
        %select_n3A_681 = arith.select %gt3A_678, %broadcast_in_dim3A_680, %broadcast_in_dim3A_121 : vector<16xi1>, vector<16xi32>
        %min3A_682 = arith.minsi %min3A_670, %select_n3A_681 : vector<16xi32>
        %get3A_683 = arith.constant 50 : i32
        %get3A_684 = arith.index_cast %get3A_683 : i32 to index
        %get3A_685 = arith.index_cast %select_n3A_102 : i32 to index
        %get3A_686 = arith.index_cast %mul3A_120 : i32 to index
        %get3A_687 = tpu.vector_load %arg4[%get3A_684, %get3A_685, %get3A_686] {strides = array<i32>} : memref<108x8x128xf32, #tpu.memory_space<vmem>>, vector<16xf32>,
        %gt3A_688 = arith.constant 5.000000e-01 : f32
        %gt3A_689 = vector.broadcast %gt3A_688 : f32 to vector<16xf32>
        %gt3A_690 = arith.cmpf ogt, %get3A_687, %gt3A_689 : vector<16xf32>
        %jit3A_691 = arith.constant 15 : i32
        %broadcast_in_dim3A_692 = vector.broadcast %jit3A_691 : i32 to vector<16xi32>
        %select_n3A_693 = arith.select %gt3A_690, %broadcast_in_dim3A_692, %broadcast_in_dim3A_121 : vector<16xi1>, vector<16xi32>
        %min3A_694 = arith.minsi %min3A_682, %select_n3A_693 : vector<16xi32>
        %broadcast_in_dim3A_695 = arith.constant 0 : i32
        %broadcast_in_dim3A_696 = vector.broadcast %broadcast_in_dim3A_695 : i32 to vector<16xi32>
        %ge3A = arith.constant 16 : i32
        %ge3A_697 = vector.broadcast %ge3A : i32 to vector<16xi32>
        %ge3A_698 = arith.cmpi sge, %min3A_310, %ge3A_697 : vector<16xi32>
        %select_n3A_699 = arith.select %ge3A_698, %broadcast_in_dim3A_696, %min3A_310 : vector<16xi1>, vector<16xi32>
        %ge3A_700 = arith.constant 16 : i32
        %ge3A_701 = vector.broadcast %ge3A_700 : i32 to vector<16xi32>
        %ge3A_702 = arith.cmpi sge, %min3A_502, %ge3A_701 : vector<16xi32>
        %select_n3A_703 = arith.select %ge3A_702, %broadcast_in_dim3A_696, %min3A_502 : vector<16xi1>, vector<16xi32>
        %ge3A_704 = arith.constant 16 : i32
        %ge3A_705 = vector.broadcast %ge3A_704 : i32 to vector<16xi32>
        %ge3A_706 = arith.cmpi sge, %min3A_694, %ge3A_705 : vector<16xi32>
        %select_n3A_707 = arith.select %ge3A_706, %broadcast_in_dim3A_696, %min3A_694 : vector<16xi1>, vector<16xi32>
        %mul3A_708 = arith.constant 16 : i32
        %mul3A_709 = vector.broadcast %mul3A_708 : i32 to vector<16xi32>
        %mul3A_710 = arith.muli %select_n3A_703, %mul3A_709 : vector<16xi32>
        %add3A_711 = arith.addi %mul3A_710, %select_n3A_699 : vector<16xi32>
        %shift_left3A = arith.shli %add3A_711, %select_n3A_707 : vector<16xi32>
        %and3A_712 = arith.constant 255 : i32
        %and3A_713 = vector.broadcast %and3A_712 : i32 to vector<16xi32>
        %and3A_714 = arith.andi %shift_left3A, %and3A_713 : vector<16xi32>
        %shift_right_logical3A = arith.shrui %add3A_711, %select_n3A_707 : vector<16xi32>
        %get3A_715 = arith.constant 0 : i32
        %get3A_716 = arith.index_cast %get3A_715 : i32 to index
        %get3A_717 = arith.index_cast %select_n3A_102 : i32 to index
        %get3A_718 = arith.index_cast %mul3A_120 : i32 to index
        %get3A_719 = tpu.vector_load %arg4[%get3A_716, %get3A_717, %get3A_718] {strides = array<i32>} : memref<108x8x128xf32, #tpu.memory_space<vmem>>, vector<16xf32>,
        %ge3A_720 = arith.constant 5.000000e-01 : f32
        %ge3A_721 = vector.broadcast %ge3A_720 : f32 to vector<16xf32>
        %ge3A_722 = arith.cmpf oge, %get3A_719, %ge3A_721 : vector<16xf32>
        %get3A_723 = arith.constant 1 : i32
        %get3A_724 = arith.index_cast %get3A_723 : i32 to index
        %get3A_725 = arith.index_cast %select_n3A_102 : i32 to index
        %get3A_726 = arith.index_cast %mul3A_120 : i32 to index
        %get3A_727 = tpu.vector_load %arg4[%get3A_724, %get3A_725, %get3A_726] {strides = array<i32>} : memref<108x8x128xf32, #tpu.memory_space<vmem>>, vector<16xf32>,
        %gt3A_728 = arith.constant 5.000000e-01 : f32
        %gt3A_729 = vector.broadcast %gt3A_728 : f32 to vector<16xf32>
        %gt3A_730 = arith.cmpf ogt, %get3A_727, %gt3A_729 : vector<16xf32>
        %get3A_731 = arith.constant 2 : i32
        %get3A_732 = arith.index_cast %get3A_731 : i32 to index
        %get3A_733 = arith.index_cast %select_n3A_102 : i32 to index
        %get3A_734 = arith.index_cast %mul3A_120 : i32 to index
        %get3A_735 = tpu.vector_load %arg4[%get3A_732, %get3A_733, %get3A_734] {strides = array<i32>} : memref<108x8x128xf32, #tpu.memory_space<vmem>>, vector<16xf32>,
        %gt3A_736 = arith.constant 5.000000e-01 : f32
        %gt3A_737 = vector.broadcast %gt3A_736 : f32 to vector<16xf32>
        %gt3A_738 = arith.cmpf ogt, %get3A_735, %gt3A_737 : vector<16xf32>
        %or3A = arith.ori %gt3A_730, %gt3A_738 : vector<16xi1>
        %and3A_739 = arith.andi %ge3A_722, %or3A : vector<16xi1>
        %select_n3A_740 = arith.select %gt3A_730, %and3A_714, %shift_right_logical3A : vector<16xi1>, vector<16xi32>
        %and3A_741 = arith.constant 15 : i32
        %and3A_742 = vector.broadcast %and3A_741 : i32 to vector<16xi32>
        %and3A_743 = arith.andi %select_n3A_740, %and3A_742 : vector<16xi32>
        %shift_right_logical3A_744 = arith.constant 4 : i32
        %shift_right_logical3A_745 = vector.broadcast %shift_right_logical3A_744 : i32 to vector<16xi32>
        %shift_right_logical3A_746 = arith.shrui %select_n3A_740, %shift_right_logical3A_745 : vector<16xi32>
        %select_n3A_747 = arith.select %and3A_739, %and3A_743, %broadcast_in_dim3A_121 : vector<16xi1>, vector<16xi32>
        %swap3A = arith.index_cast %select_n3A_102 : i32 to index
        %swap3A_748 = arith.index_cast %mul3A_120 : i32 to index
        %swap3A_749 = tpu.vector_load %arg5[%swap3A, %swap3A_748] {strides = array<i32>} : memref<8x128xi32, #tpu.memory_space<vmem>>, vector<16xi32>,
        tpu.vector_store %arg5[%swap3A, %swap3A_748], %select_n3A_747 {strides = array<i32>} : memref<8x128xi32, #tpu.memory_space<vmem>>, vector<16xi32>,
        %select_n3A_750 = arith.select %and3A_739, %shift_right_logical3A_746, %broadcast_in_dim3A_121 : vector<16xi1>, vector<16xi32>
        %swap3A_751 = arith.index_cast %select_n3A_102 : i32 to index
        %swap3A_752 = arith.index_cast %mul3A_120 : i32 to index
        %swap3A_753 = tpu.vector_load %arg6[%swap3A_751, %swap3A_752] {strides = array<i32>} : memref<8x128xi32, #tpu.memory_space<vmem>>, vector<16xi32>,
        tpu.vector_store %arg6[%swap3A_751, %swap3A_752], %select_n3A_750 {strides = array<i32>} : memref<8x128xi32, #tpu.memory_space<vmem>>, vector<16xi32>,
      }
      %scan3A_59 = arith.constant 64 : i32
      %scan3A_60 = arith.constant 0 : i32
      %scan3A_61 = arith.constant 0 : i32
      %scan3A_62 = arith.constant 64 : i32
      %scan3A_63 = arith.addi %scan3A_61, %scan3A_62 : i32
      %scan3A_64 = arith.constant 1 : i32
      scf.for %scan3A_78 = %scan3A_61 to %scan3A_63 step %scan3A_64  : i32 {
        %jit3A_79 = arith.constant 8 : i32
        %div3A_80 = arith.divsi %scan3A_78, %jit3A_79 : i32
        %sign3A_81 = arith.constant 0 : i32
        %sign3A_82 = arith.cmpi sgt, %scan3A_78, %sign3A_81 : i32
        %sign3A_83 = arith.extui %sign3A_82 : i1 to i32
        %sign3A_84 = arith.constant 0 : i32
        %sign3A_85 = arith.cmpi slt, %scan3A_78, %sign3A_84 : i32
        %sign3A_86 = arith.extui %sign3A_85 : i1 to i32
        %sign3A_87 = arith.subi %sign3A_83, %sign3A_86 : i32
        %sign3A_88 = arith.constant 0 : i32
        %sign3A_89 = arith.cmpi sgt, %jit3A_79, %sign3A_88 : i32
        %sign3A_90 = arith.extui %sign3A_89 : i1 to i32
        %sign3A_91 = arith.constant 0 : i32
        %sign3A_92 = arith.cmpi slt, %jit3A_79, %sign3A_91 : i32
        %sign3A_93 = arith.extui %sign3A_92 : i1 to i32
        %sign3A_94 = arith.subi %sign3A_90, %sign3A_93 : i32
        %ne3A_95 = arith.cmpi ne, %sign3A_87, %sign3A_94 : i32
        %rem3A_96 = arith.remsi %scan3A_78, %jit3A_79 : i32
        %ne3A_97 = arith.constant 0 : i32
        %ne3A_98 = arith.cmpi ne, %rem3A_96, %ne3A_97 : i32
        %and3A_99 = arith.andi %ne3A_95, %ne3A_98 : i1
        %sub3A_100 = arith.constant 1 : i32
        %sub3A_101 = arith.subi %div3A_80, %sub3A_100 : i32
        %select_n3A_102 = arith.select %and3A_99, %sub3A_101, %div3A_80 : i32
        %jit3A_103 = arith.constant 8 : i32
        %eq3A_104 = arith.constant 0 : i32
        %eq3A_105 = arith.cmpi eq, %jit3A_103, %eq3A_104 : i32
        %jit3A_106 = arith.constant 1 : i32
        %select_n3A_107 = arith.select %eq3A_105, %jit3A_106, %jit3A_103 : i32
        %rem3A_108 = arith.remsi %scan3A_78, %select_n3A_107 : i32
        %ne3A_109 = arith.constant 0 : i32
        %ne3A_110 = arith.cmpi ne, %rem3A_108, %ne3A_109 : i32
        %lt3A_111 = arith.constant 0 : i32
        %lt3A_112 = arith.cmpi slt, %rem3A_108, %lt3A_111 : i32
        %lt3A_113 = arith.constant 0 : i32
        %lt3A_114 = arith.cmpi slt, %select_n3A_107, %lt3A_113 : i32
        %ne3A_115 = arith.xori %lt3A_112, %lt3A_114 : i1
        %and3A_116 = arith.andi %ne3A_115, %ne3A_110 : i1
        %add3A_117 = arith.addi %rem3A_108, %select_n3A_107 : i32
        %select_n3A_118 = arith.select %and3A_116, %add3A_117, %rem3A_108 : i32
        %mul3A_119 = arith.constant 16 : i32
        %mul3A_120 = arith.muli %select_n3A_118, %mul3A_119 : i32
        %get3A = arith.index_cast %select_n3A_102 : i32 to index
        %get3A_121 = arith.index_cast %mul3A_120 : i32 to index
        %get3A_122 = tpu.vector_load %arg5[%get3A, %get3A_121] {strides = array<i32>} : memref<8x128xi32, #tpu.memory_space<vmem>>, vector<16xi32>,
        %get3A_123 = arith.index_cast %select_n3A_102 : i32 to index
        %get3A_124 = arith.index_cast %mul3A_120 : i32 to index
        %get3A_125 = tpu.vector_load %arg6[%get3A_123, %get3A_124] {strides = array<i32>} : memref<8x128xi32, #tpu.memory_space<vmem>>, vector<16xi32>,
        %broadcast_in_dim3A = arith.constant 2.000000e+00 : f32
        %broadcast_in_dim3A_126 = vector.broadcast %broadcast_in_dim3A : f32 to vector<16xf32>
        %broadcast_in_dim3A_127 = arith.constant 0.000000e+00 : f32
        %broadcast_in_dim3A_128 = vector.broadcast %broadcast_in_dim3A_127 : f32 to vector<16xf32>
        %get3A_129 = arith.constant 76 : i32
        %get3A_130 = arith.index_cast %get3A_129 : i32 to index
        %get3A_131 = arith.index_cast %select_n3A_102 : i32 to index
        %get3A_132 = arith.index_cast %mul3A_120 : i32 to index
        %get3A_133 = tpu.vector_load %arg4[%get3A_130, %get3A_131, %get3A_132] {strides = array<i32>} : memref<108x8x128xf32, #tpu.memory_space<vmem>>, vector<16xf32>,
        %eq3A_134 = arith.constant 0 : i32
        %eq3A_135 = vector.broadcast %eq3A_134 : i32 to vector<16xi32>
        %eq3A_136 = arith.cmpi eq, %get3A_122, %eq3A_135 : vector<16xi32>
        %select_n3A_137 = arith.select %eq3A_136, %broadcast_in_dim3A_126, %broadcast_in_dim3A_128 : vector<16xi1>, vector<16xf32>
        %add3A_138 = arith.addf %get3A_133, %select_n3A_137 : vector<16xf32>
        %swap3A = arith.constant 76 : i32
        %swap3A_139 = arith.index_cast %swap3A : i32 to index
        %swap3A_140 = arith.index_cast %select_n3A_102 : i32 to index
        %swap3A_141 = arith.index_cast %mul3A_120 : i32 to index
        %swap3A_142 = tpu.vector_load %arg4[%swap3A_139, %swap3A_140, %swap3A_141] {strides = array<i32>} : memref<108x8x128xf32, #tpu.memory_space<vmem>>, vector<16xf32>,
        tpu.vector_store %arg4[%swap3A_139, %swap3A_140, %swap3A_141], %add3A_138 {strides = array<i32>} : memref<108x8x128xf32, #tpu.memory_space<vmem>>, vector<16xf32>,
        %get3A_143 = arith.constant 77 : i32
        %get3A_144 = arith.index_cast %get3A_143 : i32 to index
        %get3A_145 = arith.index_cast %select_n3A_102 : i32 to index
        %get3A_146 = arith.index_cast %mul3A_120 : i32 to index
        %get3A_147 = tpu.vector_load %arg4[%get3A_144, %get3A_145, %get3A_146] {strides = array<i32>} : memref<108x8x128xf32, #tpu.memory_space<vmem>>, vector<16xf32>,
        %eq3A_148 = arith.constant 1 : i32
        %eq3A_149 = vector.broadcast %eq3A_148 : i32 to vector<16xi32>
        %eq3A_150 = arith.cmpi eq, %get3A_122, %eq3A_149 : vector<16xi32>
        %select_n3A_151 = arith.select %eq3A_150, %broadcast_in_dim3A_126, %broadcast_in_dim3A_128 : vector<16xi1>, vector<16xf32>
        %add3A_152 = arith.addf %get3A_147, %select_n3A_151 : vector<16xf32>
        %swap3A_153 = arith.constant 77 : i32
        %swap3A_154 = arith.index_cast %swap3A_153 : i32 to index
        %swap3A_155 = arith.index_cast %select_n3A_102 : i32 to index
        %swap3A_156 = arith.index_cast %mul3A_120 : i32 to index
        %swap3A_157 = tpu.vector_load %arg4[%swap3A_154, %swap3A_155, %swap3A_156] {strides = array<i32>} : memref<108x8x128xf32, #tpu.memory_space<vmem>>, vector<16xf32>,
        tpu.vector_store %arg4[%swap3A_154, %swap3A_155, %swap3A_156], %add3A_152 {strides = array<i32>} : memref<108x8x128xf32, #tpu.memory_space<vmem>>, vector<16xf32>,
        %get3A_158 = arith.constant 78 : i32
        %get3A_159 = arith.index_cast %get3A_158 : i32 to index
        %get3A_160 = arith.index_cast %select_n3A_102 : i32 to index
        %get3A_161 = arith.index_cast %mul3A_120 : i32 to index
        %get3A_162 = tpu.vector_load %arg4[%get3A_159, %get3A_160, %get3A_161] {strides = array<i32>} : memref<108x8x128xf32, #tpu.memory_space<vmem>>, vector<16xf32>,
        %eq3A_163 = arith.constant 2 : i32
        %eq3A_164 = vector.broadcast %eq3A_163 : i32 to vector<16xi32>
        %eq3A_165 = arith.cmpi eq, %get3A_122, %eq3A_164 : vector<16xi32>
        %select_n3A_166 = arith.select %eq3A_165, %broadcast_in_dim3A_126, %broadcast_in_dim3A_128 : vector<16xi1>, vector<16xf32>
        %add3A_167 = arith.addf %get3A_162, %select_n3A_166 : vector<16xf32>
        %swap3A_168 = arith.constant 78 : i32
        %swap3A_169 = arith.index_cast %swap3A_168 : i32 to index
        %swap3A_170 = arith.index_cast %select_n3A_102 : i32 to index
        %swap3A_171 = arith.index_cast %mul3A_120 : i32 to index
        %swap3A_172 = tpu.vector_load %arg4[%swap3A_169, %swap3A_170, %swap3A_171] {strides = array<i32>} : memref<108x8x128xf32, #tpu.memory_space<vmem>>, vector<16xf32>,
        tpu.vector_store %arg4[%swap3A_169, %swap3A_170, %swap3A_171], %add3A_167 {strides = array<i32>} : memref<108x8x128xf32, #tpu.memory_space<vmem>>, vector<16xf32>,
        %get3A_173 = arith.constant 79 : i32
        %get3A_174 = arith.index_cast %get3A_173 : i32 to index
        %get3A_175 = arith.index_cast %select_n3A_102 : i32 to index
        %get3A_176 = arith.index_cast %mul3A_120 : i32 to index
        %get3A_177 = tpu.vector_load %arg4[%get3A_174, %get3A_175, %get3A_176] {strides = array<i32>} : memref<108x8x128xf32, #tpu.memory_space<vmem>>, vector<16xf32>,
        %eq3A_178 = arith.constant 3 : i32
        %eq3A_179 = vector.broadcast %eq3A_178 : i32 to vector<16xi32>
        %eq3A_180 = arith.cmpi eq, %get3A_122, %eq3A_179 : vector<16xi32>
        %select_n3A_181 = arith.select %eq3A_180, %broadcast_in_dim3A_126, %broadcast_in_dim3A_128 : vector<16xi1>, vector<16xf32>
        %add3A_182 = arith.addf %get3A_177, %select_n3A_181 : vector<16xf32>
        %swap3A_183 = arith.constant 79 : i32
        %swap3A_184 = arith.index_cast %swap3A_183 : i32 to index
        %swap3A_185 = arith.index_cast %select_n3A_102 : i32 to index
        %swap3A_186 = arith.index_cast %mul3A_120 : i32 to index
        %swap3A_187 = tpu.vector_load %arg4[%swap3A_184, %swap3A_185, %swap3A_186] {strides = array<i32>} : memref<108x8x128xf32, #tpu.memory_space<vmem>>, vector<16xf32>,
        tpu.vector_store %arg4[%swap3A_184, %swap3A_185, %swap3A_186], %add3A_182 {strides = array<i32>} : memref<108x8x128xf32, #tpu.memory_space<vmem>>, vector<16xf32>,
        %get3A_188 = arith.constant 80 : i32
        %get3A_189 = arith.index_cast %get3A_188 : i32 to index
        %get3A_190 = arith.index_cast %select_n3A_102 : i32 to index
        %get3A_191 = arith.index_cast %mul3A_120 : i32 to index
        %get3A_192 = tpu.vector_load %arg4[%get3A_189, %get3A_190, %get3A_191] {strides = array<i32>} : memref<108x8x128xf32, #tpu.memory_space<vmem>>, vector<16xf32>,
        %eq3A_193 = arith.constant 4 : i32
        %eq3A_194 = vector.broadcast %eq3A_193 : i32 to vector<16xi32>
        %eq3A_195 = arith.cmpi eq, %get3A_122, %eq3A_194 : vector<16xi32>
        %select_n3A_196 = arith.select %eq3A_195, %broadcast_in_dim3A_126, %broadcast_in_dim3A_128 : vector<16xi1>, vector<16xf32>
        %add3A_197 = arith.addf %get3A_192, %select_n3A_196 : vector<16xf32>
        %swap3A_198 = arith.constant 80 : i32
        %swap3A_199 = arith.index_cast %swap3A_198 : i32 to index
        %swap3A_200 = arith.index_cast %select_n3A_102 : i32 to index
        %swap3A_201 = arith.index_cast %mul3A_120 : i32 to index
        %swap3A_202 = tpu.vector_load %arg4[%swap3A_199, %swap3A_200, %swap3A_201] {strides = array<i32>} : memref<108x8x128xf32, #tpu.memory_space<vmem>>, vector<16xf32>,
        tpu.vector_store %arg4[%swap3A_199, %swap3A_200, %swap3A_201], %add3A_197 {strides = array<i32>} : memref<108x8x128xf32, #tpu.memory_space<vmem>>, vector<16xf32>,
        %get3A_203 = arith.constant 81 : i32
        %get3A_204 = arith.index_cast %get3A_203 : i32 to index
        %get3A_205 = arith.index_cast %select_n3A_102 : i32 to index
        %get3A_206 = arith.index_cast %mul3A_120 : i32 to index
        %get3A_207 = tpu.vector_load %arg4[%get3A_204, %get3A_205, %get3A_206] {strides = array<i32>} : memref<108x8x128xf32, #tpu.memory_space<vmem>>, vector<16xf32>,
        %eq3A_208 = arith.constant 5 : i32
        %eq3A_209 = vector.broadcast %eq3A_208 : i32 to vector<16xi32>
        %eq3A_210 = arith.cmpi eq, %get3A_122, %eq3A_209 : vector<16xi32>
        %select_n3A_211 = arith.select %eq3A_210, %broadcast_in_dim3A_126, %broadcast_in_dim3A_128 : vector<16xi1>, vector<16xf32>
        %add3A_212 = arith.addf %get3A_207, %select_n3A_211 : vector<16xf32>
        %swap3A_213 = arith.constant 81 : i32
        %swap3A_214 = arith.index_cast %swap3A_213 : i32 to index
        %swap3A_215 = arith.index_cast %select_n3A_102 : i32 to index
        %swap3A_216 = arith.index_cast %mul3A_120 : i32 to index
        %swap3A_217 = tpu.vector_load %arg4[%swap3A_214, %swap3A_215, %swap3A_216] {strides = array<i32>} : memref<108x8x128xf32, #tpu.memory_space<vmem>>, vector<16xf32>,
        tpu.vector_store %arg4[%swap3A_214, %swap3A_215, %swap3A_216], %add3A_212 {strides = array<i32>} : memref<108x8x128xf32, #tpu.memory_space<vmem>>, vector<16xf32>,
        %get3A_218 = arith.constant 82 : i32
        %get3A_219 = arith.index_cast %get3A_218 : i32 to index
        %get3A_220 = arith.index_cast %select_n3A_102 : i32 to index
        %get3A_221 = arith.index_cast %mul3A_120 : i32 to index
        %get3A_222 = tpu.vector_load %arg4[%get3A_219, %get3A_220, %get3A_221] {strides = array<i32>} : memref<108x8x128xf32, #tpu.memory_space<vmem>>, vector<16xf32>,
        %eq3A_223 = arith.constant 6 : i32
        %eq3A_224 = vector.broadcast %eq3A_223 : i32 to vector<16xi32>
        %eq3A_225 = arith.cmpi eq, %get3A_122, %eq3A_224 : vector<16xi32>
        %select_n3A_226 = arith.select %eq3A_225, %broadcast_in_dim3A_126, %broadcast_in_dim3A_128 : vector<16xi1>, vector<16xf32>
        %add3A_227 = arith.addf %get3A_222, %select_n3A_226 : vector<16xf32>
        %swap3A_228 = arith.constant 82 : i32
        %swap3A_229 = arith.index_cast %swap3A_228 : i32 to index
        %swap3A_230 = arith.index_cast %select_n3A_102 : i32 to index
        %swap3A_231 = arith.index_cast %mul3A_120 : i32 to index
        %swap3A_232 = tpu.vector_load %arg4[%swap3A_229, %swap3A_230, %swap3A_231] {strides = array<i32>} : memref<108x8x128xf32, #tpu.memory_space<vmem>>, vector<16xf32>,
        tpu.vector_store %arg4[%swap3A_229, %swap3A_230, %swap3A_231], %add3A_227 {strides = array<i32>} : memref<108x8x128xf32, #tpu.memory_space<vmem>>, vector<16xf32>,
        %get3A_233 = arith.constant 83 : i32
        %get3A_234 = arith.index_cast %get3A_233 : i32 to index
        %get3A_235 = arith.index_cast %select_n3A_102 : i32 to index
        %get3A_236 = arith.index_cast %mul3A_120 : i32 to index
        %get3A_237 = tpu.vector_load %arg4[%get3A_234, %get3A_235, %get3A_236] {strides = array<i32>} : memref<108x8x128xf32, #tpu.memory_space<vmem>>, vector<16xf32>,
        %eq3A_238 = arith.constant 7 : i32
        %eq3A_239 = vector.broadcast %eq3A_238 : i32 to vector<16xi32>
        %eq3A_240 = arith.cmpi eq, %get3A_122, %eq3A_239 : vector<16xi32>
        %select_n3A_241 = arith.select %eq3A_240, %broadcast_in_dim3A_126, %broadcast_in_dim3A_128 : vector<16xi1>, vector<16xf32>
        %add3A_242 = arith.addf %get3A_237, %select_n3A_241 : vector<16xf32>
        %swap3A_243 = arith.constant 83 : i32
        %swap3A_244 = arith.index_cast %swap3A_243 : i32 to index
        %swap3A_245 = arith.index_cast %select_n3A_102 : i32 to index
        %swap3A_246 = arith.index_cast %mul3A_120 : i32 to index
        %swap3A_247 = tpu.vector_load %arg4[%swap3A_244, %swap3A_245, %swap3A_246] {strides = array<i32>} : memref<108x8x128xf32, #tpu.memory_space<vmem>>, vector<16xf32>,
        tpu.vector_store %arg4[%swap3A_244, %swap3A_245, %swap3A_246], %add3A_242 {strides = array<i32>} : memref<108x8x128xf32, #tpu.memory_space<vmem>>, vector<16xf32>,
        %get3A_248 = arith.constant 84 : i32
        %get3A_249 = arith.index_cast %get3A_248 : i32 to index
        %get3A_250 = arith.index_cast %select_n3A_102 : i32 to index
        %get3A_251 = arith.index_cast %mul3A_120 : i32 to index
        %get3A_252 = tpu.vector_load %arg4[%get3A_249, %get3A_250, %get3A_251] {strides = array<i32>} : memref<108x8x128xf32, #tpu.memory_space<vmem>>, vector<16xf32>,
        %eq3A_253 = arith.constant 8 : i32
        %eq3A_254 = vector.broadcast %eq3A_253 : i32 to vector<16xi32>
        %eq3A_255 = arith.cmpi eq, %get3A_122, %eq3A_254 : vector<16xi32>
        %select_n3A_256 = arith.select %eq3A_255, %broadcast_in_dim3A_126, %broadcast_in_dim3A_128 : vector<16xi1>, vector<16xf32>
        %add3A_257 = arith.addf %get3A_252, %select_n3A_256 : vector<16xf32>
        %swap3A_258 = arith.constant 84 : i32
        %swap3A_259 = arith.index_cast %swap3A_258 : i32 to index
        %swap3A_260 = arith.index_cast %select_n3A_102 : i32 to index
        %swap3A_261 = arith.index_cast %mul3A_120 : i32 to index
        %swap3A_262 = tpu.vector_load %arg4[%swap3A_259, %swap3A_260, %swap3A_261] {strides = array<i32>} : memref<108x8x128xf32, #tpu.memory_space<vmem>>, vector<16xf32>,
        tpu.vector_store %arg4[%swap3A_259, %swap3A_260, %swap3A_261], %add3A_257 {strides = array<i32>} : memref<108x8x128xf32, #tpu.memory_space<vmem>>, vector<16xf32>,
        %get3A_263 = arith.constant 85 : i32
        %get3A_264 = arith.index_cast %get3A_263 : i32 to index
        %get3A_265 = arith.index_cast %select_n3A_102 : i32 to index
        %get3A_266 = arith.index_cast %mul3A_120 : i32 to index
        %get3A_267 = tpu.vector_load %arg4[%get3A_264, %get3A_265, %get3A_266] {strides = array<i32>} : memref<108x8x128xf32, #tpu.memory_space<vmem>>, vector<16xf32>,
        %eq3A_268 = arith.constant 9 : i32
        %eq3A_269 = vector.broadcast %eq3A_268 : i32 to vector<16xi32>
        %eq3A_270 = arith.cmpi eq, %get3A_122, %eq3A_269 : vector<16xi32>
        %select_n3A_271 = arith.select %eq3A_270, %broadcast_in_dim3A_126, %broadcast_in_dim3A_128 : vector<16xi1>, vector<16xf32>
        %add3A_272 = arith.addf %get3A_267, %select_n3A_271 : vector<16xf32>
        %swap3A_273 = arith.constant 85 : i32
        %swap3A_274 = arith.index_cast %swap3A_273 : i32 to index
        %swap3A_275 = arith.index_cast %select_n3A_102 : i32 to index
        %swap3A_276 = arith.index_cast %mul3A_120 : i32 to index
        %swap3A_277 = tpu.vector_load %arg4[%swap3A_274, %swap3A_275, %swap3A_276] {strides = array<i32>} : memref<108x8x128xf32, #tpu.memory_space<vmem>>, vector<16xf32>,
        tpu.vector_store %arg4[%swap3A_274, %swap3A_275, %swap3A_276], %add3A_272 {strides = array<i32>} : memref<108x8x128xf32, #tpu.memory_space<vmem>>, vector<16xf32>,
        %get3A_278 = arith.constant 86 : i32
        %get3A_279 = arith.index_cast %get3A_278 : i32 to index
        %get3A_280 = arith.index_cast %select_n3A_102 : i32 to index
        %get3A_281 = arith.index_cast %mul3A_120 : i32 to index
        %get3A_282 = tpu.vector_load %arg4[%get3A_279, %get3A_280, %get3A_281] {strides = array<i32>} : memref<108x8x128xf32, #tpu.memory_space<vmem>>, vector<16xf32>,
        %eq3A_283 = arith.constant 10 : i32
        %eq3A_284 = vector.broadcast %eq3A_283 : i32 to vector<16xi32>
        %eq3A_285 = arith.cmpi eq, %get3A_122, %eq3A_284 : vector<16xi32>
        %select_n3A_286 = arith.select %eq3A_285, %broadcast_in_dim3A_126, %broadcast_in_dim3A_128 : vector<16xi1>, vector<16xf32>
        %add3A_287 = arith.addf %get3A_282, %select_n3A_286 : vector<16xf32>
        %swap3A_288 = arith.constant 86 : i32
        %swap3A_289 = arith.index_cast %swap3A_288 : i32 to index
        %swap3A_290 = arith.index_cast %select_n3A_102 : i32 to index
        %swap3A_291 = arith.index_cast %mul3A_120 : i32 to index
        %swap3A_292 = tpu.vector_load %arg4[%swap3A_289, %swap3A_290, %swap3A_291] {strides = array<i32>} : memref<108x8x128xf32, #tpu.memory_space<vmem>>, vector<16xf32>,
        tpu.vector_store %arg4[%swap3A_289, %swap3A_290, %swap3A_291], %add3A_287 {strides = array<i32>} : memref<108x8x128xf32, #tpu.memory_space<vmem>>, vector<16xf32>,
        %get3A_293 = arith.constant 87 : i32
        %get3A_294 = arith.index_cast %get3A_293 : i32 to index
        %get3A_295 = arith.index_cast %select_n3A_102 : i32 to index
        %get3A_296 = arith.index_cast %mul3A_120 : i32 to index
        %get3A_297 = tpu.vector_load %arg4[%get3A_294, %get3A_295, %get3A_296] {strides = array<i32>} : memref<108x8x128xf32, #tpu.memory_space<vmem>>, vector<16xf32>,
        %eq3A_298 = arith.constant 11 : i32
        %eq3A_299 = vector.broadcast %eq3A_298 : i32 to vector<16xi32>
        %eq3A_300 = arith.cmpi eq, %get3A_122, %eq3A_299 : vector<16xi32>
        %select_n3A_301 = arith.select %eq3A_300, %broadcast_in_dim3A_126, %broadcast_in_dim3A_128 : vector<16xi1>, vector<16xf32>
        %add3A_302 = arith.addf %get3A_297, %select_n3A_301 : vector<16xf32>
        %swap3A_303 = arith.constant 87 : i32
        %swap3A_304 = arith.index_cast %swap3A_303 : i32 to index
        %swap3A_305 = arith.index_cast %select_n3A_102 : i32 to index
        %swap3A_306 = arith.index_cast %mul3A_120 : i32 to index
        %swap3A_307 = tpu.vector_load %arg4[%swap3A_304, %swap3A_305, %swap3A_306] {strides = array<i32>} : memref<108x8x128xf32, #tpu.memory_space<vmem>>, vector<16xf32>,
        tpu.vector_store %arg4[%swap3A_304, %swap3A_305, %swap3A_306], %add3A_302 {strides = array<i32>} : memref<108x8x128xf32, #tpu.memory_space<vmem>>, vector<16xf32>,
        %get3A_308 = arith.constant 88 : i32
        %get3A_309 = arith.index_cast %get3A_308 : i32 to index
        %get3A_310 = arith.index_cast %select_n3A_102 : i32 to index
        %get3A_311 = arith.index_cast %mul3A_120 : i32 to index
        %get3A_312 = tpu.vector_load %arg4[%get3A_309, %get3A_310, %get3A_311] {strides = array<i32>} : memref<108x8x128xf32, #tpu.memory_space<vmem>>, vector<16xf32>,
        %eq3A_313 = arith.constant 12 : i32
        %eq3A_314 = vector.broadcast %eq3A_313 : i32 to vector<16xi32>
        %eq3A_315 = arith.cmpi eq, %get3A_122, %eq3A_314 : vector<16xi32>
        %select_n3A_316 = arith.select %eq3A_315, %broadcast_in_dim3A_126, %broadcast_in_dim3A_128 : vector<16xi1>, vector<16xf32>
        %add3A_317 = arith.addf %get3A_312, %select_n3A_316 : vector<16xf32>
        %swap3A_318 = arith.constant 88 : i32
        %swap3A_319 = arith.index_cast %swap3A_318 : i32 to index
        %swap3A_320 = arith.index_cast %select_n3A_102 : i32 to index
        %swap3A_321 = arith.index_cast %mul3A_120 : i32 to index
        %swap3A_322 = tpu.vector_load %arg4[%swap3A_319, %swap3A_320, %swap3A_321] {strides = array<i32>} : memref<108x8x128xf32, #tpu.memory_space<vmem>>, vector<16xf32>,
        tpu.vector_store %arg4[%swap3A_319, %swap3A_320, %swap3A_321], %add3A_317 {strides = array<i32>} : memref<108x8x128xf32, #tpu.memory_space<vmem>>, vector<16xf32>,
        %get3A_323 = arith.constant 89 : i32
        %get3A_324 = arith.index_cast %get3A_323 : i32 to index
        %get3A_325 = arith.index_cast %select_n3A_102 : i32 to index
        %get3A_326 = arith.index_cast %mul3A_120 : i32 to index
        %get3A_327 = tpu.vector_load %arg4[%get3A_324, %get3A_325, %get3A_326] {strides = array<i32>} : memref<108x8x128xf32, #tpu.memory_space<vmem>>, vector<16xf32>,
        %eq3A_328 = arith.constant 13 : i32
        %eq3A_329 = vector.broadcast %eq3A_328 : i32 to vector<16xi32>
        %eq3A_330 = arith.cmpi eq, %get3A_122, %eq3A_329 : vector<16xi32>
        %select_n3A_331 = arith.select %eq3A_330, %broadcast_in_dim3A_126, %broadcast_in_dim3A_128 : vector<16xi1>, vector<16xf32>
        %add3A_332 = arith.addf %get3A_327, %select_n3A_331 : vector<16xf32>
        %swap3A_333 = arith.constant 89 : i32
        %swap3A_334 = arith.index_cast %swap3A_333 : i32 to index
        %swap3A_335 = arith.index_cast %select_n3A_102 : i32 to index
        %swap3A_336 = arith.index_cast %mul3A_120 : i32 to index
        %swap3A_337 = tpu.vector_load %arg4[%swap3A_334, %swap3A_335, %swap3A_336] {strides = array<i32>} : memref<108x8x128xf32, #tpu.memory_space<vmem>>, vector<16xf32>,
        tpu.vector_store %arg4[%swap3A_334, %swap3A_335, %swap3A_336], %add3A_332 {strides = array<i32>} : memref<108x8x128xf32, #tpu.memory_space<vmem>>, vector<16xf32>,
        %get3A_338 = arith.constant 90 : i32
        %get3A_339 = arith.index_cast %get3A_338 : i32 to index
        %get3A_340 = arith.index_cast %select_n3A_102 : i32 to index
        %get3A_341 = arith.index_cast %mul3A_120 : i32 to index
        %get3A_342 = tpu.vector_load %arg4[%get3A_339, %get3A_340, %get3A_341] {strides = array<i32>} : memref<108x8x128xf32, #tpu.memory_space<vmem>>, vector<16xf32>,
        %eq3A_343 = arith.constant 14 : i32
        %eq3A_344 = vector.broadcast %eq3A_343 : i32 to vector<16xi32>
        %eq3A_345 = arith.cmpi eq, %get3A_122, %eq3A_344 : vector<16xi32>
        %select_n3A_346 = arith.select %eq3A_345, %broadcast_in_dim3A_126, %broadcast_in_dim3A_128 : vector<16xi1>, vector<16xf32>
        %add3A_347 = arith.addf %get3A_342, %select_n3A_346 : vector<16xf32>
        %swap3A_348 = arith.constant 90 : i32
        %swap3A_349 = arith.index_cast %swap3A_348 : i32 to index
        %swap3A_350 = arith.index_cast %select_n3A_102 : i32 to index
        %swap3A_351 = arith.index_cast %mul3A_120 : i32 to index
        %swap3A_352 = tpu.vector_load %arg4[%swap3A_349, %swap3A_350, %swap3A_351] {strides = array<i32>} : memref<108x8x128xf32, #tpu.memory_space<vmem>>, vector<16xf32>,
        tpu.vector_store %arg4[%swap3A_349, %swap3A_350, %swap3A_351], %add3A_347 {strides = array<i32>} : memref<108x8x128xf32, #tpu.memory_space<vmem>>, vector<16xf32>,
        %get3A_353 = arith.constant 91 : i32
        %get3A_354 = arith.index_cast %get3A_353 : i32 to index
        %get3A_355 = arith.index_cast %select_n3A_102 : i32 to index
        %get3A_356 = arith.index_cast %mul3A_120 : i32 to index
        %get3A_357 = tpu.vector_load %arg4[%get3A_354, %get3A_355, %get3A_356] {strides = array<i32>} : memref<108x8x128xf32, #tpu.memory_space<vmem>>, vector<16xf32>,
        %eq3A_358 = arith.constant 15 : i32
        %eq3A_359 = vector.broadcast %eq3A_358 : i32 to vector<16xi32>
        %eq3A_360 = arith.cmpi eq, %get3A_122, %eq3A_359 : vector<16xi32>
        %select_n3A_361 = arith.select %eq3A_360, %broadcast_in_dim3A_126, %broadcast_in_dim3A_128 : vector<16xi1>, vector<16xf32>
        %add3A_362 = arith.addf %get3A_357, %select_n3A_361 : vector<16xf32>
        %swap3A_363 = arith.constant 91 : i32
        %swap3A_364 = arith.index_cast %swap3A_363 : i32 to index
        %swap3A_365 = arith.index_cast %select_n3A_102 : i32 to index
        %swap3A_366 = arith.index_cast %mul3A_120 : i32 to index
        %swap3A_367 = tpu.vector_load %arg4[%swap3A_364, %swap3A_365, %swap3A_366] {strides = array<i32>} : memref<108x8x128xf32, #tpu.memory_space<vmem>>, vector<16xf32>,
        tpu.vector_store %arg4[%swap3A_364, %swap3A_365, %swap3A_366], %add3A_362 {strides = array<i32>} : memref<108x8x128xf32, #tpu.memory_space<vmem>>, vector<16xf32>,
        %get3A_368 = arith.constant 92 : i32
        %get3A_369 = arith.index_cast %get3A_368 : i32 to index
        %get3A_370 = arith.index_cast %select_n3A_102 : i32 to index
        %get3A_371 = arith.index_cast %mul3A_120 : i32 to index
        %get3A_372 = tpu.vector_load %arg4[%get3A_369, %get3A_370, %get3A_371] {strides = array<i32>} : memref<108x8x128xf32, #tpu.memory_space<vmem>>, vector<16xf32>,
        %eq3A_373 = arith.constant 0 : i32
        %eq3A_374 = vector.broadcast %eq3A_373 : i32 to vector<16xi32>
        %eq3A_375 = arith.cmpi eq, %get3A_125, %eq3A_374 : vector<16xi32>
        %select_n3A_376 = arith.select %eq3A_375, %broadcast_in_dim3A_126, %broadcast_in_dim3A_128 : vector<16xi1>, vector<16xf32>
        %add3A_377 = arith.addf %get3A_372, %select_n3A_376 : vector<16xf32>
        %swap3A_378 = arith.constant 92 : i32
        %swap3A_379 = arith.index_cast %swap3A_378 : i32 to index
        %swap3A_380 = arith.index_cast %select_n3A_102 : i32 to index
        %swap3A_381 = arith.index_cast %mul3A_120 : i32 to index
        %swap3A_382 = tpu.vector_load %arg4[%swap3A_379, %swap3A_380, %swap3A_381] {strides = array<i32>} : memref<108x8x128xf32, #tpu.memory_space<vmem>>, vector<16xf32>,
        tpu.vector_store %arg4[%swap3A_379, %swap3A_380, %swap3A_381], %add3A_377 {strides = array<i32>} : memref<108x8x128xf32, #tpu.memory_space<vmem>>, vector<16xf32>,
        %get3A_383 = arith.constant 93 : i32
        %get3A_384 = arith.index_cast %get3A_383 : i32 to index
        %get3A_385 = arith.index_cast %select_n3A_102 : i32 to index
        %get3A_386 = arith.index_cast %mul3A_120 : i32 to index
        %get3A_387 = tpu.vector_load %arg4[%get3A_384, %get3A_385, %get3A_386] {strides = array<i32>} : memref<108x8x128xf32, #tpu.memory_space<vmem>>, vector<16xf32>,
        %eq3A_388 = arith.constant 1 : i32
        %eq3A_389 = vector.broadcast %eq3A_388 : i32 to vector<16xi32>
        %eq3A_390 = arith.cmpi eq, %get3A_125, %eq3A_389 : vector<16xi32>
        %select_n3A_391 = arith.select %eq3A_390, %broadcast_in_dim3A_126, %broadcast_in_dim3A_128 : vector<16xi1>, vector<16xf32>
        %add3A_392 = arith.addf %get3A_387, %select_n3A_391 : vector<16xf32>
        %swap3A_393 = arith.constant 93 : i32
        %swap3A_394 = arith.index_cast %swap3A_393 : i32 to index
        %swap3A_395 = arith.index_cast %select_n3A_102 : i32 to index
        %swap3A_396 = arith.index_cast %mul3A_120 : i32 to index
        %swap3A_397 = tpu.vector_load %arg4[%swap3A_394, %swap3A_395, %swap3A_396] {strides = array<i32>} : memref<108x8x128xf32, #tpu.memory_space<vmem>>, vector<16xf32>,
        tpu.vector_store %arg4[%swap3A_394, %swap3A_395, %swap3A_396], %add3A_392 {strides = array<i32>} : memref<108x8x128xf32, #tpu.memory_space<vmem>>, vector<16xf32>,
        %get3A_398 = arith.constant 94 : i32
        %get3A_399 = arith.index_cast %get3A_398 : i32 to index
        %get3A_400 = arith.index_cast %select_n3A_102 : i32 to index
        %get3A_401 = arith.index_cast %mul3A_120 : i32 to index
        %get3A_402 = tpu.vector_load %arg4[%get3A_399, %get3A_400, %get3A_401] {strides = array<i32>} : memref<108x8x128xf32, #tpu.memory_space<vmem>>, vector<16xf32>,
        %eq3A_403 = arith.constant 2 : i32
        %eq3A_404 = vector.broadcast %eq3A_403 : i32 to vector<16xi32>
        %eq3A_405 = arith.cmpi eq, %get3A_125, %eq3A_404 : vector<16xi32>
        %select_n3A_406 = arith.select %eq3A_405, %broadcast_in_dim3A_126, %broadcast_in_dim3A_128 : vector<16xi1>, vector<16xf32>
        %add3A_407 = arith.addf %get3A_402, %select_n3A_406 : vector<16xf32>
        %swap3A_408 = arith.constant 94 : i32
        %swap3A_409 = arith.index_cast %swap3A_408 : i32 to index
        %swap3A_410 = arith.index_cast %select_n3A_102 : i32 to index
        %swap3A_411 = arith.index_cast %mul3A_120 : i32 to index
        %swap3A_412 = tpu.vector_load %arg4[%swap3A_409, %swap3A_410, %swap3A_411] {strides = array<i32>} : memref<108x8x128xf32, #tpu.memory_space<vmem>>, vector<16xf32>,
        tpu.vector_store %arg4[%swap3A_409, %swap3A_410, %swap3A_411], %add3A_407 {strides = array<i32>} : memref<108x8x128xf32, #tpu.memory_space<vmem>>, vector<16xf32>,
        %get3A_413 = arith.constant 95 : i32
        %get3A_414 = arith.index_cast %get3A_413 : i32 to index
        %get3A_415 = arith.index_cast %select_n3A_102 : i32 to index
        %get3A_416 = arith.index_cast %mul3A_120 : i32 to index
        %get3A_417 = tpu.vector_load %arg4[%get3A_414, %get3A_415, %get3A_416] {strides = array<i32>} : memref<108x8x128xf32, #tpu.memory_space<vmem>>, vector<16xf32>,
        %eq3A_418 = arith.constant 3 : i32
        %eq3A_419 = vector.broadcast %eq3A_418 : i32 to vector<16xi32>
        %eq3A_420 = arith.cmpi eq, %get3A_125, %eq3A_419 : vector<16xi32>
        %select_n3A_421 = arith.select %eq3A_420, %broadcast_in_dim3A_126, %broadcast_in_dim3A_128 : vector<16xi1>, vector<16xf32>
        %add3A_422 = arith.addf %get3A_417, %select_n3A_421 : vector<16xf32>
        %swap3A_423 = arith.constant 95 : i32
        %swap3A_424 = arith.index_cast %swap3A_423 : i32 to index
        %swap3A_425 = arith.index_cast %select_n3A_102 : i32 to index
        %swap3A_426 = arith.index_cast %mul3A_120 : i32 to index
        %swap3A_427 = tpu.vector_load %arg4[%swap3A_424, %swap3A_425, %swap3A_426] {strides = array<i32>} : memref<108x8x128xf32, #tpu.memory_space<vmem>>, vector<16xf32>,
        tpu.vector_store %arg4[%swap3A_424, %swap3A_425, %swap3A_426], %add3A_422 {strides = array<i32>} : memref<108x8x128xf32, #tpu.memory_space<vmem>>, vector<16xf32>,
        %get3A_428 = arith.constant 96 : i32
        %get3A_429 = arith.index_cast %get3A_428 : i32 to index
        %get3A_430 = arith.index_cast %select_n3A_102 : i32 to index
        %get3A_431 = arith.index_cast %mul3A_120 : i32 to index
        %get3A_432 = tpu.vector_load %arg4[%get3A_429, %get3A_430, %get3A_431] {strides = array<i32>} : memref<108x8x128xf32, #tpu.memory_space<vmem>>, vector<16xf32>,
        %eq3A_433 = arith.constant 4 : i32
        %eq3A_434 = vector.broadcast %eq3A_433 : i32 to vector<16xi32>
        %eq3A_435 = arith.cmpi eq, %get3A_125, %eq3A_434 : vector<16xi32>
        %select_n3A_436 = arith.select %eq3A_435, %broadcast_in_dim3A_126, %broadcast_in_dim3A_128 : vector<16xi1>, vector<16xf32>
        %add3A_437 = arith.addf %get3A_432, %select_n3A_436 : vector<16xf32>
        %swap3A_438 = arith.constant 96 : i32
        %swap3A_439 = arith.index_cast %swap3A_438 : i32 to index
        %swap3A_440 = arith.index_cast %select_n3A_102 : i32 to index
        %swap3A_441 = arith.index_cast %mul3A_120 : i32 to index
        %swap3A_442 = tpu.vector_load %arg4[%swap3A_439, %swap3A_440, %swap3A_441] {strides = array<i32>} : memref<108x8x128xf32, #tpu.memory_space<vmem>>, vector<16xf32>,
        tpu.vector_store %arg4[%swap3A_439, %swap3A_440, %swap3A_441], %add3A_437 {strides = array<i32>} : memref<108x8x128xf32, #tpu.memory_space<vmem>>, vector<16xf32>,
        %get3A_443 = arith.constant 97 : i32
        %get3A_444 = arith.index_cast %get3A_443 : i32 to index
        %get3A_445 = arith.index_cast %select_n3A_102 : i32 to index
        %get3A_446 = arith.index_cast %mul3A_120 : i32 to index
        %get3A_447 = tpu.vector_load %arg4[%get3A_444, %get3A_445, %get3A_446] {strides = array<i32>} : memref<108x8x128xf32, #tpu.memory_space<vmem>>, vector<16xf32>,
        %eq3A_448 = arith.constant 5 : i32
        %eq3A_449 = vector.broadcast %eq3A_448 : i32 to vector<16xi32>
        %eq3A_450 = arith.cmpi eq, %get3A_125, %eq3A_449 : vector<16xi32>
        %select_n3A_451 = arith.select %eq3A_450, %broadcast_in_dim3A_126, %broadcast_in_dim3A_128 : vector<16xi1>, vector<16xf32>
        %add3A_452 = arith.addf %get3A_447, %select_n3A_451 : vector<16xf32>
        %swap3A_453 = arith.constant 97 : i32
        %swap3A_454 = arith.index_cast %swap3A_453 : i32 to index
        %swap3A_455 = arith.index_cast %select_n3A_102 : i32 to index
        %swap3A_456 = arith.index_cast %mul3A_120 : i32 to index
        %swap3A_457 = tpu.vector_load %arg4[%swap3A_454, %swap3A_455, %swap3A_456] {strides = array<i32>} : memref<108x8x128xf32, #tpu.memory_space<vmem>>, vector<16xf32>,
        tpu.vector_store %arg4[%swap3A_454, %swap3A_455, %swap3A_456], %add3A_452 {strides = array<i32>} : memref<108x8x128xf32, #tpu.memory_space<vmem>>, vector<16xf32>,
        %get3A_458 = arith.constant 98 : i32
        %get3A_459 = arith.index_cast %get3A_458 : i32 to index
        %get3A_460 = arith.index_cast %select_n3A_102 : i32 to index
        %get3A_461 = arith.index_cast %mul3A_120 : i32 to index
        %get3A_462 = tpu.vector_load %arg4[%get3A_459, %get3A_460, %get3A_461] {strides = array<i32>} : memref<108x8x128xf32, #tpu.memory_space<vmem>>, vector<16xf32>,
        %eq3A_463 = arith.constant 6 : i32
        %eq3A_464 = vector.broadcast %eq3A_463 : i32 to vector<16xi32>
        %eq3A_465 = arith.cmpi eq, %get3A_125, %eq3A_464 : vector<16xi32>
        %select_n3A_466 = arith.select %eq3A_465, %broadcast_in_dim3A_126, %broadcast_in_dim3A_128 : vector<16xi1>, vector<16xf32>
        %add3A_467 = arith.addf %get3A_462, %select_n3A_466 : vector<16xf32>
        %swap3A_468 = arith.constant 98 : i32
        %swap3A_469 = arith.index_cast %swap3A_468 : i32 to index
        %swap3A_470 = arith.index_cast %select_n3A_102 : i32 to index
        %swap3A_471 = arith.index_cast %mul3A_120 : i32 to index
        %swap3A_472 = tpu.vector_load %arg4[%swap3A_469, %swap3A_470, %swap3A_471] {strides = array<i32>} : memref<108x8x128xf32, #tpu.memory_space<vmem>>, vector<16xf32>,
        tpu.vector_store %arg4[%swap3A_469, %swap3A_470, %swap3A_471], %add3A_467 {strides = array<i32>} : memref<108x8x128xf32, #tpu.memory_space<vmem>>, vector<16xf32>,
        %get3A_473 = arith.constant 99 : i32
        %get3A_474 = arith.index_cast %get3A_473 : i32 to index
        %get3A_475 = arith.index_cast %select_n3A_102 : i32 to index
        %get3A_476 = arith.index_cast %mul3A_120 : i32 to index
        %get3A_477 = tpu.vector_load %arg4[%get3A_474, %get3A_475, %get3A_476] {strides = array<i32>} : memref<108x8x128xf32, #tpu.memory_space<vmem>>, vector<16xf32>,
        %eq3A_478 = arith.constant 7 : i32
        %eq3A_479 = vector.broadcast %eq3A_478 : i32 to vector<16xi32>
        %eq3A_480 = arith.cmpi eq, %get3A_125, %eq3A_479 : vector<16xi32>
        %select_n3A_481 = arith.select %eq3A_480, %broadcast_in_dim3A_126, %broadcast_in_dim3A_128 : vector<16xi1>, vector<16xf32>
        %add3A_482 = arith.addf %get3A_477, %select_n3A_481 : vector<16xf32>
        %swap3A_483 = arith.constant 99 : i32
        %swap3A_484 = arith.index_cast %swap3A_483 : i32 to index
        %swap3A_485 = arith.index_cast %select_n3A_102 : i32 to index
        %swap3A_486 = arith.index_cast %mul3A_120 : i32 to index
        %swap3A_487 = tpu.vector_load %arg4[%swap3A_484, %swap3A_485, %swap3A_486] {strides = array<i32>} : memref<108x8x128xf32, #tpu.memory_space<vmem>>, vector<16xf32>,
        tpu.vector_store %arg4[%swap3A_484, %swap3A_485, %swap3A_486], %add3A_482 {strides = array<i32>} : memref<108x8x128xf32, #tpu.memory_space<vmem>>, vector<16xf32>,
        %get3A_488 = arith.constant 100 : i32
        %get3A_489 = arith.index_cast %get3A_488 : i32 to index
        %get3A_490 = arith.index_cast %select_n3A_102 : i32 to index
        %get3A_491 = arith.index_cast %mul3A_120 : i32 to index
        %get3A_492 = tpu.vector_load %arg4[%get3A_489, %get3A_490, %get3A_491] {strides = array<i32>} : memref<108x8x128xf32, #tpu.memory_space<vmem>>, vector<16xf32>,
        %eq3A_493 = arith.constant 8 : i32
        %eq3A_494 = vector.broadcast %eq3A_493 : i32 to vector<16xi32>
        %eq3A_495 = arith.cmpi eq, %get3A_125, %eq3A_494 : vector<16xi32>
        %select_n3A_496 = arith.select %eq3A_495, %broadcast_in_dim3A_126, %broadcast_in_dim3A_128 : vector<16xi1>, vector<16xf32>
        %add3A_497 = arith.addf %get3A_492, %select_n3A_496 : vector<16xf32>
        %swap3A_498 = arith.constant 100 : i32
        %swap3A_499 = arith.index_cast %swap3A_498 : i32 to index
        %swap3A_500 = arith.index_cast %select_n3A_102 : i32 to index
        %swap3A_501 = arith.index_cast %mul3A_120 : i32 to index
        %swap3A_502 = tpu.vector_load %arg4[%swap3A_499, %swap3A_500, %swap3A_501] {strides = array<i32>} : memref<108x8x128xf32, #tpu.memory_space<vmem>>, vector<16xf32>,
        tpu.vector_store %arg4[%swap3A_499, %swap3A_500, %swap3A_501], %add3A_497 {strides = array<i32>} : memref<108x8x128xf32, #tpu.memory_space<vmem>>, vector<16xf32>,
        %get3A_503 = arith.constant 101 : i32
        %get3A_504 = arith.index_cast %get3A_503 : i32 to index
        %get3A_505 = arith.index_cast %select_n3A_102 : i32 to index
        %get3A_506 = arith.index_cast %mul3A_120 : i32 to index
        %get3A_507 = tpu.vector_load %arg4[%get3A_504, %get3A_505, %get3A_506] {strides = array<i32>} : memref<108x8x128xf32, #tpu.memory_space<vmem>>, vector<16xf32>,
        %eq3A_508 = arith.constant 9 : i32
        %eq3A_509 = vector.broadcast %eq3A_508 : i32 to vector<16xi32>
        %eq3A_510 = arith.cmpi eq, %get3A_125, %eq3A_509 : vector<16xi32>
        %select_n3A_511 = arith.select %eq3A_510, %broadcast_in_dim3A_126, %broadcast_in_dim3A_128 : vector<16xi1>, vector<16xf32>
        %add3A_512 = arith.addf %get3A_507, %select_n3A_511 : vector<16xf32>
        %swap3A_513 = arith.constant 101 : i32
        %swap3A_514 = arith.index_cast %swap3A_513 : i32 to index
        %swap3A_515 = arith.index_cast %select_n3A_102 : i32 to index
        %swap3A_516 = arith.index_cast %mul3A_120 : i32 to index
        %swap3A_517 = tpu.vector_load %arg4[%swap3A_514, %swap3A_515, %swap3A_516] {strides = array<i32>} : memref<108x8x128xf32, #tpu.memory_space<vmem>>, vector<16xf32>,
        tpu.vector_store %arg4[%swap3A_514, %swap3A_515, %swap3A_516], %add3A_512 {strides = array<i32>} : memref<108x8x128xf32, #tpu.memory_space<vmem>>, vector<16xf32>,
        %get3A_518 = arith.constant 102 : i32
        %get3A_519 = arith.index_cast %get3A_518 : i32 to index
        %get3A_520 = arith.index_cast %select_n3A_102 : i32 to index
        %get3A_521 = arith.index_cast %mul3A_120 : i32 to index
        %get3A_522 = tpu.vector_load %arg4[%get3A_519, %get3A_520, %get3A_521] {strides = array<i32>} : memref<108x8x128xf32, #tpu.memory_space<vmem>>, vector<16xf32>,
        %eq3A_523 = arith.constant 10 : i32
        %eq3A_524 = vector.broadcast %eq3A_523 : i32 to vector<16xi32>
        %eq3A_525 = arith.cmpi eq, %get3A_125, %eq3A_524 : vector<16xi32>
        %select_n3A_526 = arith.select %eq3A_525, %broadcast_in_dim3A_126, %broadcast_in_dim3A_128 : vector<16xi1>, vector<16xf32>
        %add3A_527 = arith.addf %get3A_522, %select_n3A_526 : vector<16xf32>
        %swap3A_528 = arith.constant 102 : i32
        %swap3A_529 = arith.index_cast %swap3A_528 : i32 to index
        %swap3A_530 = arith.index_cast %select_n3A_102 : i32 to index
        %swap3A_531 = arith.index_cast %mul3A_120 : i32 to index
        %swap3A_532 = tpu.vector_load %arg4[%swap3A_529, %swap3A_530, %swap3A_531] {strides = array<i32>} : memref<108x8x128xf32, #tpu.memory_space<vmem>>, vector<16xf32>,
        tpu.vector_store %arg4[%swap3A_529, %swap3A_530, %swap3A_531], %add3A_527 {strides = array<i32>} : memref<108x8x128xf32, #tpu.memory_space<vmem>>, vector<16xf32>,
        %get3A_533 = arith.constant 103 : i32
        %get3A_534 = arith.index_cast %get3A_533 : i32 to index
        %get3A_535 = arith.index_cast %select_n3A_102 : i32 to index
        %get3A_536 = arith.index_cast %mul3A_120 : i32 to index
        %get3A_537 = tpu.vector_load %arg4[%get3A_534, %get3A_535, %get3A_536] {strides = array<i32>} : memref<108x8x128xf32, #tpu.memory_space<vmem>>, vector<16xf32>,
        %eq3A_538 = arith.constant 11 : i32
        %eq3A_539 = vector.broadcast %eq3A_538 : i32 to vector<16xi32>
        %eq3A_540 = arith.cmpi eq, %get3A_125, %eq3A_539 : vector<16xi32>
        %select_n3A_541 = arith.select %eq3A_540, %broadcast_in_dim3A_126, %broadcast_in_dim3A_128 : vector<16xi1>, vector<16xf32>
        %add3A_542 = arith.addf %get3A_537, %select_n3A_541 : vector<16xf32>
        %swap3A_543 = arith.constant 103 : i32
        %swap3A_544 = arith.index_cast %swap3A_543 : i32 to index
        %swap3A_545 = arith.index_cast %select_n3A_102 : i32 to index
        %swap3A_546 = arith.index_cast %mul3A_120 : i32 to index
        %swap3A_547 = tpu.vector_load %arg4[%swap3A_544, %swap3A_545, %swap3A_546] {strides = array<i32>} : memref<108x8x128xf32, #tpu.memory_space<vmem>>, vector<16xf32>,
        tpu.vector_store %arg4[%swap3A_544, %swap3A_545, %swap3A_546], %add3A_542 {strides = array<i32>} : memref<108x8x128xf32, #tpu.memory_space<vmem>>, vector<16xf32>,
        %get3A_548 = arith.constant 104 : i32
        %get3A_549 = arith.index_cast %get3A_548 : i32 to index
        %get3A_550 = arith.index_cast %select_n3A_102 : i32 to index
        %get3A_551 = arith.index_cast %mul3A_120 : i32 to index
        %get3A_552 = tpu.vector_load %arg4[%get3A_549, %get3A_550, %get3A_551] {strides = array<i32>} : memref<108x8x128xf32, #tpu.memory_space<vmem>>, vector<16xf32>,
        %eq3A_553 = arith.constant 12 : i32
        %eq3A_554 = vector.broadcast %eq3A_553 : i32 to vector<16xi32>
        %eq3A_555 = arith.cmpi eq, %get3A_125, %eq3A_554 : vector<16xi32>
        %select_n3A_556 = arith.select %eq3A_555, %broadcast_in_dim3A_126, %broadcast_in_dim3A_128 : vector<16xi1>, vector<16xf32>
        %add3A_557 = arith.addf %get3A_552, %select_n3A_556 : vector<16xf32>
        %swap3A_558 = arith.constant 104 : i32
        %swap3A_559 = arith.index_cast %swap3A_558 : i32 to index
        %swap3A_560 = arith.index_cast %select_n3A_102 : i32 to index
        %swap3A_561 = arith.index_cast %mul3A_120 : i32 to index
        %swap3A_562 = tpu.vector_load %arg4[%swap3A_559, %swap3A_560, %swap3A_561] {strides = array<i32>} : memref<108x8x128xf32, #tpu.memory_space<vmem>>, vector<16xf32>,
        tpu.vector_store %arg4[%swap3A_559, %swap3A_560, %swap3A_561], %add3A_557 {strides = array<i32>} : memref<108x8x128xf32, #tpu.memory_space<vmem>>, vector<16xf32>,
        %get3A_563 = arith.constant 105 : i32
        %get3A_564 = arith.index_cast %get3A_563 : i32 to index
        %get3A_565 = arith.index_cast %select_n3A_102 : i32 to index
        %get3A_566 = arith.index_cast %mul3A_120 : i32 to index
        %get3A_567 = tpu.vector_load %arg4[%get3A_564, %get3A_565, %get3A_566] {strides = array<i32>} : memref<108x8x128xf32, #tpu.memory_space<vmem>>, vector<16xf32>,
        %eq3A_568 = arith.constant 13 : i32
        %eq3A_569 = vector.broadcast %eq3A_568 : i32 to vector<16xi32>
        %eq3A_570 = arith.cmpi eq, %get3A_125, %eq3A_569 : vector<16xi32>
        %select_n3A_571 = arith.select %eq3A_570, %broadcast_in_dim3A_126, %broadcast_in_dim3A_128 : vector<16xi1>, vector<16xf32>
        %add3A_572 = arith.addf %get3A_567, %select_n3A_571 : vector<16xf32>
        %swap3A_573 = arith.constant 105 : i32
        %swap3A_574 = arith.index_cast %swap3A_573 : i32 to index
        %swap3A_575 = arith.index_cast %select_n3A_102 : i32 to index
        %swap3A_576 = arith.index_cast %mul3A_120 : i32 to index
        %swap3A_577 = tpu.vector_load %arg4[%swap3A_574, %swap3A_575, %swap3A_576] {strides = array<i32>} : memref<108x8x128xf32, #tpu.memory_space<vmem>>, vector<16xf32>,
        tpu.vector_store %arg4[%swap3A_574, %swap3A_575, %swap3A_576], %add3A_572 {strides = array<i32>} : memref<108x8x128xf32, #tpu.memory_space<vmem>>, vector<16xf32>,
        %get3A_578 = arith.constant 106 : i32
        %get3A_579 = arith.index_cast %get3A_578 : i32 to index
        %get3A_580 = arith.index_cast %select_n3A_102 : i32 to index
        %get3A_581 = arith.index_cast %mul3A_120 : i32 to index
        %get3A_582 = tpu.vector_load %arg4[%get3A_579, %get3A_580, %get3A_581] {strides = array<i32>} : memref<108x8x128xf32, #tpu.memory_space<vmem>>, vector<16xf32>,
        %eq3A_583 = arith.constant 14 : i32
        %eq3A_584 = vector.broadcast %eq3A_583 : i32 to vector<16xi32>
        %eq3A_585 = arith.cmpi eq, %get3A_125, %eq3A_584 : vector<16xi32>
        %select_n3A_586 = arith.select %eq3A_585, %broadcast_in_dim3A_126, %broadcast_in_dim3A_128 : vector<16xi1>, vector<16xf32>
        %add3A_587 = arith.addf %get3A_582, %select_n3A_586 : vector<16xf32>
        %swap3A_588 = arith.constant 106 : i32
        %swap3A_589 = arith.index_cast %swap3A_588 : i32 to index
        %swap3A_590 = arith.index_cast %select_n3A_102 : i32 to index
        %swap3A_591 = arith.index_cast %mul3A_120 : i32 to index
        %swap3A_592 = tpu.vector_load %arg4[%swap3A_589, %swap3A_590, %swap3A_591] {strides = array<i32>} : memref<108x8x128xf32, #tpu.memory_space<vmem>>, vector<16xf32>,
        tpu.vector_store %arg4[%swap3A_589, %swap3A_590, %swap3A_591], %add3A_587 {strides = array<i32>} : memref<108x8x128xf32, #tpu.memory_space<vmem>>, vector<16xf32>,
        %get3A_593 = arith.constant 107 : i32
        %get3A_594 = arith.index_cast %get3A_593 : i32 to index
        %get3A_595 = arith.index_cast %select_n3A_102 : i32 to index
        %get3A_596 = arith.index_cast %mul3A_120 : i32 to index
        %get3A_597 = tpu.vector_load %arg4[%get3A_594, %get3A_595, %get3A_596] {strides = array<i32>} : memref<108x8x128xf32, #tpu.memory_space<vmem>>, vector<16xf32>,
        %eq3A_598 = arith.constant 15 : i32
        %eq3A_599 = vector.broadcast %eq3A_598 : i32 to vector<16xi32>
        %eq3A_600 = arith.cmpi eq, %get3A_125, %eq3A_599 : vector<16xi32>
        %select_n3A_601 = arith.select %eq3A_600, %broadcast_in_dim3A_126, %broadcast_in_dim3A_128 : vector<16xi1>, vector<16xf32>
        %add3A_602 = arith.addf %get3A_597, %select_n3A_601 : vector<16xf32>
        %swap3A_603 = arith.constant 107 : i32
        %swap3A_604 = arith.index_cast %swap3A_603 : i32 to index
        %swap3A_605 = arith.index_cast %select_n3A_102 : i32 to index
        %swap3A_606 = arith.index_cast %mul3A_120 : i32 to index
        %swap3A_607 = tpu.vector_load %arg4[%swap3A_604, %swap3A_605, %swap3A_606] {strides = array<i32>} : memref<108x8x128xf32, #tpu.memory_space<vmem>>, vector<16xf32>,
        tpu.vector_store %arg4[%swap3A_604, %swap3A_605, %swap3A_606], %add3A_602 {strides = array<i32>} : memref<108x8x128xf32, #tpu.memory_space<vmem>>, vector<16xf32>,
      }
      %scan3A_65 = arith.constant 64 : i32
      %scan3A_66 = arith.constant 0 : i32
      %scan3A_67 = arith.constant 0 : i32
      %scan3A_68 = arith.constant 108 : i32
      %scan3A_69 = arith.addi %scan3A_67, %scan3A_68 : i32
      %scan3A_70 = arith.constant 1 : i32
      scf.for %scan3A_78 = %scan3A_67 to %scan3A_69 step %scan3A_70  : i32 {
        %mul3A_79 = arith.constant 16 : i32
        %mul3A_80 = arith.muli %scan3A_78, %mul3A_79 : i32
        %mul3A_81 = arith.constant 8 : i32
        %mul3A_82 = arith.muli %select_n3A_18, %mul3A_81 : i32
        %add3A_83 = arith.addi %mul3A_80, %mul3A_82 : i32
        %dma_start3A = arith.constant 0 : i32
        %dma_start3A_84 = arith.constant 0 : i32
        %dma_start3A_85 = tpu.memref_slice %arg4[%scan3A_78, %dma_start3A, %dma_start3A_84] : memref<108x8x128xf32, #tpu.memory_space<vmem>> -> memref<1x8x128xf32, #tpu.memory_space<vmem>>
        %dma_start3A_86 = tpu.memref_squeeze %dma_start3A_85 : memref<1x8x128xf32, #tpu.memory_space<vmem>> -> memref<8x128xf32, #tpu.memory_space<vmem>>
        %dma_start3A_87 = tpu.memref_slice %arg3[%add3A_83, %mul3A_41] : memref<1728x8192xf32, #tpu.memory_space<hbm>> -> memref<8x128xf32, #tpu.memory_space<hbm>>
        %dma_start3A_88 = tpu.memref_slice %arg3[%add3A_83, %mul3A_41] : memref<1728x8192xf32, #tpu.memory_space<hbm>> -> memref<8x128xf32, #tpu.memory_space<hbm>>
        %dma_start3A_89 = arith.constant 0 : i32
        %dma_start3A_90 = arith.constant 0 : i32
        %dma_start3A_91 = tpu.memref_slice %arg4[%scan3A_78, %dma_start3A_89, %dma_start3A_90] : memref<108x8x128xf32, #tpu.memory_space<vmem>> -> memref<1x8x128xf32, #tpu.memory_space<vmem>>
        %dma_start3A_92 = tpu.memref_squeeze %dma_start3A_91 : memref<1x8x128xf32, #tpu.memory_space<vmem>> -> memref<8x128xf32, #tpu.memory_space<vmem>>
        tpu.enqueue_dma source(%dma_start3A_92 : memref<8x128xf32, #tpu.memory_space<vmem>>) target(%dma_start3A_88 : memref<8x128xf32, #tpu.memory_space<hbm>>) target_semaphore(%arg7 : memref<!tpu.dma_semaphore, #tpu.memory_space<semaphore_mem>>)
      }
      %scan3A_71 = arith.constant 108 : i32
      %scan3A_72 = arith.constant 0 : i32
      %scan3A_73 = arith.constant 0 : i32
      %scan3A_74 = arith.constant 108 : i32
      %scan3A_75 = arith.addi %scan3A_73, %scan3A_74 : i32
      %scan3A_76 = arith.constant 1 : i32
      scf.for %scan3A_78 = %scan3A_73 to %scan3A_75 step %scan3A_76  : i32 {
        %mul3A_79 = arith.constant 16 : i32
        %mul3A_80 = arith.muli %scan3A_78, %mul3A_79 : i32
        %mul3A_81 = arith.constant 8 : i32
        %mul3A_82 = arith.muli %select_n3A_18, %mul3A_81 : i32
        %add3A_83 = arith.addi %mul3A_80, %mul3A_82 : i32
        %dma_wait3A = arith.constant 0 : i32
        %dma_wait3A_84 = arith.constant 0 : i32
        %dma_wait3A_85 = tpu.memref_slice %arg4[%scan3A_78, %dma_wait3A, %dma_wait3A_84] : memref<108x8x128xf32, #tpu.memory_space<vmem>> -> memref<1x8x128xf32, #tpu.memory_space<vmem>>
        %dma_wait3A_86 = tpu.memref_squeeze %dma_wait3A_85 : memref<1x8x128xf32, #tpu.memory_space<vmem>> -> memref<8x128xf32, #tpu.memory_space<vmem>>
        %dma_wait3A_87 = tpu.memref_slice %arg3[%add3A_83, %mul3A_41] : memref<1728x8192xf32, #tpu.memory_space<hbm>> -> memref<8x128xf32, #tpu.memory_space<hbm>>
        %dma_wait3A_88 = tpu.memref_slice %arg3[%add3A_83, %mul3A_41] : memref<1728x8192xf32, #tpu.memory_space<hbm>> -> memref<8x128xf32, #tpu.memory_space<hbm>>
        %dma_wait3A_89 = arith.constant 0 : i32
        %dma_wait3A_90 = arith.constant 0 : i32
        %dma_wait3A_91 = tpu.memref_slice %arg4[%scan3A_78, %dma_wait3A_89, %dma_wait3A_90] : memref<108x8x128xf32, #tpu.memory_space<vmem>> -> memref<1x8x128xf32, #tpu.memory_space<vmem>>
        %dma_wait3A_92 = tpu.memref_squeeze %dma_wait3A_91 : memref<1x8x128xf32, #tpu.memory_space<vmem>> -> memref<8x128xf32, #tpu.memory_space<vmem>>
        tpu.wait_dma2 semaphore(%arg7 : memref<!tpu.dma_semaphore, #tpu.memory_space<semaphore_mem>>) src(%dma_wait3A_92 : memref<8x128xf32, #tpu.memory_space<vmem>>) dst(%dma_wait3A_88 : memref<8x128xf32, #tpu.memory_space<hbm>>)
      }
      %scan3A_77 = arith.constant 108 : i32
    }
    %scan3A_5 = arith.constant 4 : i32
    return
  }
}

</mosaic_0001>

<sc_bundles>
// kernel: kernel.3.cloned.1.call-start
scs
__scs_entry_jumppad:
0x0: {  	(pc) =	sbr.rel $0x88, $3  }
0x1: {  	(tag) =	ssettag $0x0;
	lr =	simm.s32 $0x1  }
0x2: {  	[smem:$0x3FA0] =	sst lr;
	_ =	strace $0xD0000000  }
0x3: {  	_ = 	snop  }
0x4: {  	_ = 	snop  }
0x5: {  	_ = 	snop  }
0x6: {  	_ = 	snop  }
0x7: {  	_ = 	snop  }
__scs_overlays_trampoline_lowered:
0x8: {  	[smem:$0x3FAF] =	sst s0  }
0x9: {  	[smem:$0x3FB0] =	sst s1  }
0xa: {  	[smem:$0x3FB1] =	sst s2  }
0xb: {  	[smem:$0x3FB2] =	sst s3  }
0xc: {  	[smem:$0x3FB3] =	sst s4  }
0xd: {  	[smem:$0x3FB4] =	sst s5  }
0xe: {  	[smem:$0x3FB5] =	sst s6  }
0xf: {  	[smem:$0x3FB6] =	sst s7  }
0x10: {  	[smem:$0x3FB7] =	sst s8  }
0x11: {  	[smem:$0x3FB8] =	sst s9;
	s0 =	simm.s32 @!p0 $0x0  }
0x12: {  	s1 =	sld [smem:$0x3F9E];
	s0 =	simm.s32 @p0 $0x1  }
0x13: {  	[smem:$0x3FB9] =	sst s0;
	s0 =	simm.s32 @!p1 $0x0  }
0x14: {  	s2 =	sld [smem:$0x3F9D];
	s0 =	simm.s32 @p1 $0x1  }
0x15: {  	[smem:$0x3FBA] =	sst s0;
	s0 =	simm.s32 @!p2 $0x0  }
0x16: {  	s3 =	sld [smem:$0x3FDB];
	s0 =	simm.s32 @p2 $0x1  }
0x17: {  	s4 =	simm.s32 $0x1BF5;
	[smem:$0x3FBC] =	sst s0  }
0x18: {  	s0 =	sld [smem:$0x3F9F];
	_ =	swait.ge [sflag:s4], $0x0  }
0x19: {  	s7 =	sld [smem:$0x3FA0]  }
0x1a: {  	s8 =	sadd.s32 $0xFFFFE003, lr  }
0x1b: {  	s9 =	sadd.s32 $0xFFFFFEF7, lr;
	s5 =	simm.s32 $0xFFFFFFFF;
	p2 =	slt.u32 s8, $0xFFFFF086  }
0x1c: {  	p1 =	slt.u32 s9, $0xF7A;
	s5 =	simm.s32 @!p2 $0x0  }
0x1d: {  	s5 =	simm.s32 @p1 $0x1;
	p0 =	seq.s32 s7, s2  }
0x1e: {  	s7 =	smul.u32 @!p0 $0xF7A, s2;
	p2 =	seq.s32 @!p0 s5, $0x0  }
0x1f: {  	s9 =	smul.u32 $0xF7A, s1;
	s8 =	simm.s32 @!p0 $0x1BF5;
	p2 =	por !p2, p0  }
0x20: {  	[sflag:s8] =	ssyncset.s32 @!p0 $0xFFFFF086;
	s6 =	sadd.s32 @!p0 s3, s7;
	s7 =	simm.s32 @!p0 $0x108  }
0x21: {  	s3 =	sadd.s32 s3, s9;
	s6 =	sadd.s32 @!p0 $0x88, s6;
	s7 =	simm.s32 @p2 $0x1082  }
0x22: {  	[simem:s7], [sflag:s8] =	dma.local @!p0 [hbm:s6], $0xF7A  }
0x23: {  	s9 =	sor.u32 $0xD0000000, s2;
	s6 =	simm.s32 $0x108;
	_ =	swait.ge @!p0 [sflag:s8], $0x0  }
0x24: {  	s3 =	sadd.s32 $0x88, s3;
	s6 =	simm.s32 @!p1 $0x1082;
	[sflag:s4] =	ssyncset.s32 $0xFFFFF086  }
0x25: {  	[simem:s6], [sflag:s4] =	dma.local [hbm:s3], $0xF7A  }
0x26: {  	[smem:$0x3FA0] =	sst s1;
	(tag) =	ssettag s2;
	_ =	strace s9  }
0x27: {  	s1 =	sld [smem:$0x3FB0]  }
0x28: {  	s2 =	sld [smem:$0x3FB1]  }
0x29: {  	s4 =	sld [smem:$0x3FB3]  }
0x2a: {  	p0 =	seq.s32 s5, $0x0;
	s5 =	sld [smem:$0x3FB4]  }
0x2b: {  	s6 =	sld [smem:$0x3FB5]  }
0x2c: {  	s7 =	sld [smem:$0x3FB6]  }
0x2d: {  	s3 =	simm.s32 $0x108;
	s8 =	sld [smem:$0x3FB7]  }
0x2e: {  	s3 =	simm.s32 @!p0 $0x1082;
	s9 =	sld [smem:$0x3FB8]  }
0x2f: {  	lr =	sadd.s32 s0, s3;
	s0 =	sld [smem:$0x3FAF]  }
0x30: {  	s3 =	sld [smem:$0x3FB2]  }
0x31: {  	[smem:$0x3FBB] =	sst s10  }
0x32: {  	s10 =	sld [smem:$0x3FB9];
	_ =	sdelay $0x3  }
0x33: {  	p0 =	seq.s32 s10, $0x1;
	s10 =	sld [smem:$0x3FBB];
	_ =	sdelay $0x3  }
0x34: {  	[smem:$0x3FBB] =	sst s10  }
0x35: {  	s10 =	sld [smem:$0x3FBA];
	_ =	sdelay $0x3  }
0x36: {  	p1 =	seq.s32 s10, $0x1;
	s10 =	sld [smem:$0x3FBB];
	_ =	sdelay $0x3  }
0x37: {  	[smem:$0x3FBB] =	sst s10  }
0x38: {  	s10 =	sld [smem:$0x3FBC]  }
0x39: {  	_ = 	snop;
	(pc) =	sbr.ind lr, $3  }
0x3a: {  	_ = 	snop  }
0x3b: {  	_ = 	snop  }
0x3c: {  	p2 =	seq.s32 s10, $0x1;
	s10 =	sld [smem:$0x3FBB]  }
0x3d: {  	_ =	shalt  }
0x3e: {  	_ =	shalt  }
0x3f: {  	_ =	shalt  }
0x40: {  	_ =	shalt  }
0x41: {  	_ =	shalt  }
0x42: {  	_ =	shalt  }
0x43: {  	_ =	shalt  }
0x44: {  	_ =	shalt  }
0x45: {  	_ =	shalt  }
0x46: {  	_ =	shalt  }
0x47: {  	_ =	shalt  }
0x48: {  	_ =	shalt  }
0x49: {  	_ =	shalt  }
0x4a: {  	_ =	shalt  }
0x4b: {  	_ =	shalt  }
0x4c: {  	_ =	shalt  }
0x4d: {  	_ =	shalt  }
0x4e: {  	_ =	shalt  }
0x4f: {  	_ =	shalt  }
0x50: {  	_ =	shalt  }
0x51: {  	_ =	shalt  }
0x52: {  	_ =	shalt  }
0x53: {  	_ =	shalt  }
0x54: {  	_ =	shalt  }
0x55: {  	_ =	shalt  }
0x56: {  	_ =	shalt  }
0x57: {  	_ =	shalt  }
0x58: {  	_ =	shalt  }
0x59: {  	_ =	shalt  }
0x5a: {  	_ =	shalt  }
0x5b: {  	_ =	shalt  }
0x5c: {  	_ =	shalt  }
0x5d: {  	_ =	shalt  }
0x5e: {  	_ =	shalt  }
0x5f: {  	_ =	shalt  }
0x60: {  	_ =	shalt  }
0x61: {  	_ =	shalt  }
0x62: {  	_ =	shalt  }
0x63: {  	_ =	shalt  }
0x64: {  	_ =	shalt  }
0x65: {  	_ =	shalt  }
0x66: {  	_ =	shalt  }
0x67: {  	_ =	shalt  }
0x68: {  	_ =	shalt  }
0x69: {  	_ =	shalt  }
0x6a: {  	_ =	shalt  }
0x6b: {  	_ =	shalt  }
0x6c: {  	_ =	shalt  }
0x6d: {  	_ =	shalt  }
0x6e: {  	_ =	shalt  }
0x6f: {  	_ =	shalt  }
0x70: {  	_ =	shalt  }
0x71: {  	_ =	shalt  }
0x72: {  	_ =	shalt  }
0x73: {  	_ =	shalt  }
0x74: {  	_ =	shalt  }
0x75: {  	_ =	shalt  }
0x76: {  	_ =	shalt  }
0x77: {  	_ =	shalt  }
0x78: {  	_ =	shalt  }
0x79: {  	_ =	shalt  }
0x7a: {  	_ =	shalt  }
0x7b: {  	_ =	shalt  }
0x7c: {  	_ =	shalt  }
0x7d: {  	_ =	shalt  }
0x7e: {  	_ =	shalt  }
0x7f: {  	_ =	shalt  }
0x80: {  	_ =	shalt  }
0x81: {  	_ =	shalt  }
0x82: {  	_ =	shalt  }
0x83: {  	_ =	shalt  }
0x84: {  	_ =	shalt  }
0x85: {  	_ =	shalt  }
0x86: {  	_ =	shalt  }
0x87: {  	_ =	shalt  }
.Lfunc_end0:
.L_simem_size_0:
called_computation_lowered:
.L_overlay_start_0:
0x88: {  	s2 =	sld [smem:$0x3FD9]  }
0x89: {  	s3 =	sld [smem:$0x3FFE];
	_ =	sdelay $0x1  }
0x8a: {  	s1 =	srdreg.scid  }
0x8b: {  	s0 =	sand.u32 $0x1, s1  }
0x8c: {  	s18 =	sshll.u32 s0, $0xA;
	s2 =	sadd.s32 s3, s2  }
0x8d: {  	s2 =	sadd.s32 s2, s18  }
0x8e: {  	[smem:$0x3FC7] =	sst s2  }
0x8f: {  	_ = 	snop  }
0x90: {  	s2 =	sld [smem:$0x3FC9]  }
0x91: {  	s19 =	sld [smem:$0x3FD0];
	(tm) =	ssettm $0x1  }
0x92: {  	s4 =	sld [smem:$0x3FFB];
	_ =	sdelay $0x3  }
0x93: {  	_ =	strace s4  }
0x94: {  	s4 =	sld [smem:$0x3FFC];
	_ =	sdelay $0x3  }
0x95: {  	_ =	strace s4  }
0x96: {  	s4 =	sld [smem:$0x3FFD];
	_ =	sdelay $0x3  }
0x97: {  	_ =	strace s4  }
0x98: {  	_ =	strace $0x8FFFFFFF  }
0x99: {  	s20 =	sld [smem:$0x3FDB];
	_ =	sdelay $0x1  }
0x9a: {  	s5 =	simm.s32 $_scs_section_size  }
0x9b: {  	s6 =	simm.s32 $_size__tile_overlayer_lowered;
	s7 =	simm.s32 $_tile_overlayer_lowered  }
0x9c: {  	s23 =	simm.s32 $0x1BFF;
	s22 =	sshll.u32 s7, $0x1;
	s4 =	sadd.s32 s5, s20  }
0x9d: {  	s8 =	simm.s32 $0x0;
	s21 =	sshll.u32 s6, $0x1;
	s6 =	sadd.s32 s22, s4  }
0x9e: {  	[timem:s8], [sflag:s23] =	dma.local [hbm:s6], s21  }
0x9f: {  	_ =	swait.ge [sflag:s23], s21  }
0xa0: {  	s5 =	ssub.s32 $0x0, s21;
	[sflag:s23] =	ssyncset.done $0x0  }
0xa1: {  	[sflag:s23] =	ssyncadd.s32 s5;
	_ =	sdelay $0x1  }
0xa2: {  	s24 =	simm.s32 $0x1B8B  }
0xa3: {  	_ =	swait.ge [sflag:s24], $0x1  }
0xa4: {  	[sflag:s24] =	ssyncset.done $0x0  }
0xa5: {  	s25 =	simm.s32 $0x1B8E;
	[sflag:s24] =	ssyncadd.s32 $0xFFFFFFFF  }
0xa6: {  	s26 =	simm.s32 $execute0_lowered;
	[smem:$0x3FD2] =	sst s25  }
0xa7: {  	s5 =	sshll.u32 s26, $0x1;
	_ =	strace $0x80000046;
	[dreg:$0x1] =	wrdreg $0xFFFFFFFF  }
0xa8: {  	s28 =	simm.s32 $_size_execute0_lowered;
	s4 =	sadd.s32 s4, s5;
	[dreg:$0x0] =	wrdreg $0x0  }
0xa9: {  	s5 =	sshll.u32 s28, $0x1;
	[dreg:$0x2] =	wrdreg s4  }
0xaa: {  	[dreg:$0x3] =	wrdreg s5  }
0xab: {  	[dreg:$0x4] =	wrdreg $0xC0  }
0xac: {  	_ =	task [dreg:s8], $0x5FFFF  }
0xad: {  	[dreg:$0x1] =	wrdreg $0xFFFFFFFF  }
0xae: {  	[dreg:$0x0] =	wrdreg $0x60  }
0xaf: {  	[dreg:$0x2] =	wrdreg s2  }
0xb0: {  	[dreg:$0x3] =	wrdreg s19  }
0xb1: {  	[dreg:$0x4] =	wrdreg $0x9  }
0xb2: {  	_ =	task.clear_ibuf [dreg:s8], $0x5FFFF;
	_ =	strace $0x90000046  }
0xb3: {  	s29 =	simm.s32 $0x9;
	_ =	strace $0x80000048  }
0xb4: {  	_ =	swait.ge [sflag:s29], $0x1  }
0xb5: {  	[sflag:s29] =	ssyncadd.s32 $0xFFFFFFFF  }
0xb6: {  	_ =	strace $0x90000048  }
0xb7: {  	_ =	sfence  }
0xb8: {  	s30 =	sld [smem:$0x0];
	_ =	sdelay $0x2  }
0xb9: {  	s31 =	sshll.u32 s1, $0xD;
	s1 =	sshrl.u32 s1, $0x2  }
0xba: {  	s3 =	sand.u32 $0x4000, s31;
	s1 =	sadd.s32 s1, s30  }
0xbb: {  	s0 =	sor.u32 s3, s0;
	s1 =	sshll.u32 s1, $0x11  }
0xbc: {  	s0 =	sor.u32 s1, s0  }
0xbd: {  	s0 =	sadd.s32 $0x8F2B, s0  }
0xbe: {  	[sflag:s0] =	ssyncadd.remote.s32 $0x1  }
0xbf: {  	_ =	sfence.sel $0xFFFF  }
0xc0: {  	[dreg:$0x0] =	wrdreg $0xFFFFFFFF;
	(pc) =	sbr.abs _section_cstart, $3  }
0xc1: {  	[dreg:$0x1] =	wrdreg $0xFFFFFFFF  }
0xc2: {  	_ =	task.clear_ibuf [dreg:s8], $0x2FFFF;
	_ =	strace $0x9FFFFFFF  }
0xc3: {  	(tm) =	ssettm $0x7FFFFFFF  }
tec
execute0_lowered:
.L_overlay_start_1:
0x0: {  	(tag) =	ssettag $0x1  }
0x1: {  	s1 =	rddreg [dreg:$0x0]  }
0x2: {  	s2 =	rddreg [dreg:$0x1];
	s3 =	srdreg.scid  }
0x3: {  	s0 =	rddreg [dreg:$0x2];
	s4 =	simm.s32 $0x0;
	s5 =	sand.u32 $0x1, s3  }
0x4: {  	[smem:$0x7FF] =	sst s4;
	s3 =	stileid.u32;
	s6 =	ssub.s32 $0x2, s5  }
0x5: {  	s8 =	sshll.u32 s3, $0x3;
	s5 =	sshll.u32 s5, $0x2;
	s7 =	sshrl.u32 s6, $0x1  }
0x6: {  	_ =	strace $0x80000047;
	s5 =	sor.u32 s5, s8;
	s6 =	ssub.s32 s6, s7  }
0x7: {  	v0 =	vimm.s32 $0x10;
	v1 =	vimm.f32 $0.0e+00;
	s8 =	simm.s32 $0x0;
	s7 =	simm.s32 $0x1;
	s6 =	smax.u32 s6, $0x1  }
.LBB2_1:
0x8: {  	p0 =	por $0x0, $0x0;
	s9 =	smov.u32 s5;
	s10 =	simm.s32 $0x0  }
.LBB2_2:
0x9: {  	s11 =	sadd.s32 s5, s10  }
0xa: {  	p1 =	seq.s32 s11, $0x0  }
0xb: {  	p1 =	por !p1, !p0  }
0xc: {  	s11 =	simm.s32 $0x1;
	p1 =	por !p1, !p1  }
0xd: {  	s12 =	simm.s32 $0x1;
	s13 =	sshrl.u32 s9, $0x1;
	s11 =	simm.s32 @!p1 $0x0  }
0xe: {  	s12 =	simm.s32 @!p0 $0x0;
	s13 =	ssub.s32 s13, s11  }
0xf: {  	s11 =	sshll.u32 s12, $0x10;
	s12 =	sshll.u32 s13, $0xA  }
0x10: {  	s14 =	simm.s32 $0x0;
	s13 =	sadd.s32 s12, s11  }
.LBB2_3:
0x11: {  	p1 =	sne.s32 s14, $0x6B000  }
.Ltmp0:
0x12: {  	_ = 	snop;
	(pc) =	sbr.rel @p1 .LBB2_3-.Ltmp0, $4  }
0x13: {  	_ = 	snop  }
0x14: {  	s15 =	sshrl.u32 s13, $0x3;
	s16 =	sshra.s32 s14, $0x2  }
0x15: {  	s13 =	sadd.s32 $0x20000, s13;
	s14 =	sadd.s32 $0x1000, s14;
	s15 =	sadd.s32 s1, s15  }
0x16: {  	[tilespmem:s16], [sflag:$0x1] =	stream.linear.gather [hbm4b:s15+s4], $0x400, $0x38;
	[tilespmem:$0x1B800] =	vst v63  }
0x17: {  	s14 =	simm.s32 $0x6B;
	_ =	swait.ge [sflag:s7], $0x400  }
0x18: {  	s15 =	simm.s32 $0x1B400;
	s13 =	simm.s32 $0x1B000;
	[sflag:s7] =	ssyncset.done $0x0  }
.LBB2_5:
0x19: {  	p1 =	sne.s32 s14, $0x1;
	s14 =	sadd.s32 $0xFFFFFFFF, s14;
	[sflag:s7] =	ssyncadd.s32 $0xFFFFFC00  }
.Ltmp1:
0x1a: {  	(pc) =	sbr.rel @p1 .LBB2_5-.Ltmp1, $3  }
0x1b: {  	_ =	sdelay $0x1  }
0x1c: {  	_ =	swait.ge [sflag:s7], $0x400  }
0x1d: {  	s17 =	simm.s32 $0x0;
	[sflag:s7] =	ssyncset.done $0x0  }
0x1e: {  	[sflag:s7] =	ssyncadd.s32 $0xFFFFFC00;
	s14 =	sand.u32 $0x3F0, s17  }
0x1f: {  	v2 =	vld [tilespmem:s14+$0x8C00]  }
0x20: {  	v3 =	vld [tilespmem:s14+$0xC00]  }
0x21: {  	v4 =	vld [tilespmem:s14+$0x9000]  }
0x22: {  	v5 =	vld [tilespmem:s14+$0x4C00]  }
0x23: {  	v6 =	vld [tilespmem:s14+$0x1000]  }
0x24: {  	v7 =	vld [tilespmem:s14+$0x9400]  }
0x25: {  	v8 =	vld [tilespmem:s14+$0x5000]  }
0x26: {  	v9 =	vld [tilespmem:s14+$0x1400]  }
0x27: {  	v10 =	vld [tilespmem:s14+$0x9800]  }
0x28: {  	v11 =	vld [tilespmem:s14+$0x5400]  }
0x29: {  	v12 =	vld [tilespmem:s14+$0x1800]  }
0x2a: {  	v13 =	vld [tilespmem:s14+$0x9C00]  }
0x2b: {  	v14 =	vld [tilespmem:s14+$0x5800]  }
0x2c: {  	v15 =	vld [tilespmem:s14+$0x1C00]  }
0x2d: {  	v16 =	vld [tilespmem:s14+$0xA000]  }
0x2e: {  	v17 =	vld [tilespmem:s14+$0xA400]  }
0x2f: {  	v18 =	vld [tilespmem:s14+$0xA800]  }
0x30: {  	v19 =	vld [tilespmem:s14+$0xAC00]  }
0x31: {  	v20 =	vld [tilespmem:s14+$0xB000]  }
0x32: {  	v21 =	vld [tilespmem:s14+$0xB400]  }
0x33: {  	v22 =	vld [tilespmem:s14+$0xB800]  }
0x34: {  	v23 =	vld [tilespmem:s14+$0xBC00]  }
0x35: {  	v24 =	vld [tilespmem:s14+$0xC000]  }
0x36: {  	v25 =	vld [tilespmem:s14+$0xC400]  }
0x37: {  	v26 =	vld [tilespmem:s14+$0xC800]  }
0x38: {  	v27 =	vld [tilespmem:s14+$0x4800]  }
0x39: {  	vm1 =	vgt.f32 v3, $5.000000000e-01;
	vm0 =	vgt.f32 v2, $5.000000000e-01;
	vm2 =	vgt.f32 v4, $5.000000000e-01;
	v2 =	vld [tilespmem:s14+$0x8800]  }
0x3a: {  	vm4 =	vgt.f32 v6, $5.000000000e-01;
	vm3 =	vgt.f32 v5, $5.000000000e-01;
	vm5 =	vgt.f32 v7, $5.000000000e-01;
	v3 =	vld [tilespmem:s14+$0x4400]  }
0x3b: {  	vm7 =	vgt.f32 v9, $5.000000000e-01;
	vm6 =	vgt.f32 v8, $5.000000000e-01;
	vm8 =	vgt.f32 v10, $5.000000000e-01;
	v4 =	vld [tilespmem:s14+$0x8400]  }
0x3c: {  	vm10 =	vgt.f32 v12, $5.000000000e-01;
	vm9 =	vgt.f32 v11, $5.000000000e-01;
	vm11 =	vgt.f32 v13, $5.000000000e-01;
	v5 =	vld [tilespmem:s14+$0x4000]  }
0x3d: {  	vm13 =	vgt.f32 v15, $5.000000000e-01;
	vm12 =	vgt.f32 v14, $5.000000000e-01;
	v6 =	vld [tilespmem:s14+$0x8000];
	vm14 =	vgt.f32 v26, $5.000000000e-01  }
0x3e: {  	v7 =	vld [tilespmem:s14+$0x3C00];
	vm15 =	vgt.f32 v27, $5.000000000e-01;
	v8 =	vsel vm14, $0xF, v0;
	vm14 =	vgt.f32 v2, $5.000000000e-01  }
0x3f: {  	v9 =	vsel vm15, $0xF, v0;
	v2 =	vld [tilespmem:s14+$0x7C00];
	vm15 =	vgt.f32 v3, $5.000000000e-01;
	v3 =	vsel vm14, $0xF, v0  }
0x40: {  	v10 =	vld [tilespmem:s14+$0x3800];
	vm14 =	vgt.f32 v25, $5.000000000e-01;
	v9 =	vsel vm15, $0xE, v9;
	vm15 =	vgt.f32 v4, $5.000000000e-01  }
0x41: {  	v4 =	vld [tilespmem:s14+$0x7800];
	v3 =	vsel vm15, $0xE, v3;
	vm15 =	vgt.f32 v5, $5.000000000e-01;
	v5 =	vsel vm14, $0xE, v8  }
0x42: {  	v8 =	vld [tilespmem:s14+$0x3400];
	vm14 =	vgt.f32 v24, $5.000000000e-01;
	v9 =	vsel vm15, $0xD, v9;
	vm15 =	vgt.f32 v6, $5.000000000e-01  }
0x43: {  	v6 =	vld [tilespmem:s14+$0x7400];
	v5 =	vsel vm14, $0xD, v5;
	v3 =	vsel vm15, $0xD, v3;
	vm15 =	vgt.f32 v7, $5.000000000e-01  }
0x44: {  	vm14 =	vgt.f32 v23, $5.000000000e-01;
	v7 =	vld [tilespmem:s14+$0x3000];
	v9 =	vsel vm15, $0xC, v9;
	vm15 =	vgt.f32 v2, $5.000000000e-01  }
0x45: {  	v5 =	vsel vm14, $0xC, v5;
	v2 =	vld [tilespmem:s14+$0x7000];
	v3 =	vsel vm15, $0xC, v3;
	vm15 =	vgt.f32 v10, $5.000000000e-01  }
0x46: {  	vm14 =	vgt.f32 v22, $5.000000000e-01;
	v10 =	vld [tilespmem:s14+$0x2C00];
	v9 =	vsel vm15, $0xB, v9;
	vm15 =	vgt.f32 v4, $5.000000000e-01  }
0x47: {  	v5 =	vsel vm14, $0xB, v5;
	v4 =	vld [tilespmem:s14+$0x6C00];
	v3 =	vsel vm15, $0xB, v3;
	vm15 =	vgt.f32 v8, $5.000000000e-01  }
0x48: {  	vm14 =	vgt.f32 v21, $5.000000000e-01;
	v8 =	vld [tilespmem:s14+$0x2800];
	v9 =	vsel vm15, $0xA, v9;
	vm15 =	vgt.f32 v6, $5.000000000e-01  }
0x49: {  	v5 =	vsel vm14, $0xA, v5;
	v6 =	vld [tilespmem:s14+$0x6800];
	v3 =	vsel vm15, $0xA, v3;
	vm15 =	vgt.f32 v7, $5.000000000e-01  }
0x4a: {  	vm14 =	vgt.f32 v20, $5.000000000e-01;
	v7 =	vld [tilespmem:s14+$0x2400];
	v9 =	vsel vm15, $0x9, v9;
	vm15 =	vgt.f32 v2, $5.000000000e-01  }
0x4b: {  	v5 =	vsel vm14, $0x9, v5;
	v2 =	vld [tilespmem:s14+$0x6400];
	v3 =	vsel vm15, $0x9, v3;
	vm15 =	vgt.f32 v10, $5.000000000e-01  }
0x4c: {  	vm14 =	vgt.f32 v19, $5.000000000e-01;
	v10 =	vld [tilespmem:s14+$0x2000];
	v9 =	vsel vm15, $0x8, v9;
	vm15 =	vgt.f32 v4, $5.000000000e-01  }
0x4d: {  	v5 =	vsel vm14, $0x8, v5;
	v4 =	vld [tilespmem:s14+$0x6000];
	v3 =	vsel vm15, $0x8, v3;
	vm15 =	vgt.f32 v8, $5.000000000e-01  }
0x4e: {  	vm14 =	vgt.f32 v18, $5.000000000e-01;
	v8 =	vld [tilespmem:s14+$0x5C00];
	v9 =	vsel vm15, $0x7, v9;
	vm15 =	vgt.f32 v6, $5.000000000e-01  }
0x4f: {  	v5 =	vsel vm14, $0x7, v5;
	v3 =	vsel vm15, $0x7, v3;
	vm15 =	vgt.f32 v7, $5.000000000e-01  }
0x50: {  	vm14 =	vgt.f32 v17, $5.000000000e-01;
	v6 =	vsel vm15, $0x6, v9;
	vm15 =	vgt.f32 v2, $5.000000000e-01  }
0x51: {  	v2 =	vsel vm15, $0x6, v3;
	vm15 =	vgt.f32 v10, $5.000000000e-01;
	v3 =	vsel vm14, $0x6, v5  }
0x52: {  	vm14 =	vgt.f32 v16, $5.000000000e-01;
	v5 =	vsel vm15, $0x5, v6;
	vm15 =	vgt.f32 v4, $5.000000000e-01  }
0x53: {  	v3 =	vsel vm14, $0x5, v3;
	v2 =	vsel vm15, $0x5, v2;
	vm15 =	vgt.f32 v8, $5.000000000e-01  }
0x54: {  	v4 =	vsel vm13, $0x4, v5;
	v3 =	vsel vm11, $0x4, v3;
	v2 =	vsel vm15, $0x4, v2  }
0x55: {  	v4 =	vsel vm10, $0x3, v4;
	v3 =	vsel vm8, $0x3, v3;
	v2 =	vsel vm12, $0x3, v2  }
0x56: {  	v4 =	vsel vm7, $0x2, v4;
	v3 =	vsel vm5, $0x2, v3;
	v2 =	vsel vm9, $0x2, v2  }
0x57: {  	v5 =	vld [tilespmem:s14+$0x800];
	v4 =	vsel vm4, $0x1, v4;
	v3 =	vsel vm2, $0x1, v3;
	v2 =	vsel vm6, $0x1, v2  }
0x58: {  	v6 =	vld [tilespmem:s14+$0x400];
	v4 =	vsel vm1, $0x0, v4;
	v3 =	vsel vm0, $0x0, v3;
	v2 =	vsel vm3, $0x0, v2  }
0x59: {  	v7 =	vld [tilespmem:s17+$0x0];
	vm0 =	vgt.u32 v4, $0xF;
	vm1 =	vgt.u32 v2, $0xF;
	v2 =	vshll.u32 v2, $0x4  }
0x5a: {  	v4 =	vsel vm0, $0x0, v4;
	vm0 =	vgt.u32 v3, $0xF;
	v2 =	vsel vm1, $0x0, v2  }
0x5b: {  	v3 =	vsel vm0, $0x0, v3;
	v2 =	vadd.s32 v4, v2  }
0x5c: {  	vm0 =	vgt.f32 v5, $5.000000000e-01;
	v4 =	vshll.u32 v2, v3  }
0x5d: {  	vm1 =	vgt.f32 v6, $5.000000000e-01;
	v2 =	vshrl.u32 v2, v3;
	v4 =	vand.u32 $0xFF, v4  }
0x5e: {  	vm2 =	vge.f32 v7, $5.000000000e-01;
	vm0 =	vmor vm1, vm0;
	v2 =	vsel vm1, v4, v2  }
0x5f: {  	vm0 =	vmand vm2, vm0;
	v3 =	vand.u32 $0xF, v2  }
0x60: {  	v2 =	vshrl.u32 v2, $0x4;
	v3 =	vnsel vm0, $0x10, v3  }
0x61: {  	s16 =	simm.s32 $0x10;
	v2 =	vnsel vm0, $0x10, v2;
	[tilespmem:s13+$0x0] =	vst v3  }
0x62: {  	s18 =	sand.u32 $0x3F0, s16;
	[tilespmem:s15+$0x0] =	vst v2  }
0x63: {  	v6 =	vld [tilespmem:s18+$0x8C00]  }
0x64: {  	v3 =	vld [tilespmem:s18+$0xC00]  }
0x65: {  	v7 =	vld [tilespmem:s18+$0x9000]  }
0x66: {  	v8 =	vld [tilespmem:s18+$0x4C00]  }
0x67: {  	v9 =	vld [tilespmem:s18+$0x1000]  }
0x68: {  	v10 =	vld [tilespmem:s18+$0x9400]  }
0x69: {  	v11 =	vld [tilespmem:s18+$0x5000]  }
0x6a: {  	v12 =	vld [tilespmem:s18+$0x1400]  }
0x6b: {  	v13 =	vld [tilespmem:s18+$0x9800]  }
0x6c: {  	v14 =	vld [tilespmem:s18+$0x5400]  }
0x6d: {  	v15 =	vld [tilespmem:s18+$0x1800]  }
0x6e: {  	v16 =	vld [tilespmem:s18+$0x9C00]  }
0x6f: {  	v17 =	vld [tilespmem:s18+$0x5800]  }
0x70: {  	v54 =	vld [tilespmem:s18+$0x1C00]  }
0x71: {  	v55 =	vld [tilespmem:s18+$0xA000];
	vm8 =	vgt.f32 v9, $5.000000000e-01  }
0x72: {  	v56 =	vld [tilespmem:s18+$0x5C00];
	vm7 =	vgt.f32 v8, $5.000000000e-01;
	vm0 =	vgt.f32 v15, $5.000000000e-01;
	v8 =	vimm.s32 $0x0  }
0x73: {  	v57 =	vld [tilespmem:s18+$0x2000];
	v9 =	vimm.s32 $0x0;
	v8 =	vsel vm0, $0xFFFFFFFF, v8;
	vm0 =	vgt.f32 v16, $5.000000000e-01  }
0x74: {  	v58 =	vld [tilespmem:s18+$0xA400];
	v9 =	vsel vm0, $0xFFFFFFFF, v9  }
0x75: {  	v59 =	vld [tilespmem:s18+$0x6000];
	vm9 =	vgt.f32 v10, $5.000000000e-01;
	vm0 =	vgt.f32 v54, $5.000000000e-01;
	[tilespmem:$0x1FEE0] =	vst v9;
	v9 =	vimm.s32 $0x0  }
0x76: {  	v60 =	vld [tilespmem:s18+$0x2400];
	v10 =	vimm.s32 $0x0;
	v9 =	vsel vm0, $0xFFFFFFFF, v9;
	vm0 =	vgt.f32 v17, $5.000000000e-01  }
0x77: {  	v61 =	vld [tilespmem:s18+$0xA800];
	v10 =	vsel vm0, $0xFFFFFFFF, v10  }
0x78: {  	v62 =	vld [tilespmem:s18+$0x6400];
	vm0 =	vgt.f32 v55, $5.000000000e-01;
	[tilespmem:$0x1FF00] =	vst v10;
	v10 =	vimm.s32 $0x0  }
0x79: {  	v63 =	vld [tilespmem:s18+$0x2800];
	v10 =	vsel vm0, $0xFFFFFFFF, v10  }
0x7a: {  	v28 =	vld [tilespmem:s18+$0xAC00];
	vm10 =	vgt.f32 v11, $5.000000000e-01;
	vm0 =	vgt.f32 v57, $5.000000000e-01;
	[tilespmem:$0x1FF10] =	vst v10;
	v10 =	vimm.s32 $0x0  }
0x7b: {  	v29 =	vld [tilespmem:s18+$0x6800];
	v11 =	vimm.s32 $0x0;
	v10 =	vsel vm0, $0xFFFFFFFF, v10;
	vm0 =	vgt.f32 v56, $5.000000000e-01  }
0x7c: {  	v30 =	vld [tilespmem:s18+$0x2C00];
	v11 =	vsel vm0, $0xFFFFFFFF, v11  }
0x7d: {  	v31 =	vld [tilespmem:s18+$0xB000];
	vm11 =	vgt.f32 v12, $5.000000000e-01;
	vm0 =	vgt.f32 v58, $5.000000000e-01;
	[tilespmem:$0x1FF30] =	vst v11;
	v11 =	vimm.s32 $0x0  }
0x7e: {  	v32 =	vld [tilespmem:s18+$0x6C00];
	v12 =	vimm.s32 $0x0;
	v11 =	vsel vm0, $0xFFFFFFFF, v11;
	vm0 =	vgt.f32 v60, $5.000000000e-01  }
0x7f: {  	v33 =	vld [tilespmem:s18+$0x3000];
	v12 =	vsel vm0, $0xFFFFFFFF, v12  }
0x80: {  	v34 =	vld [tilespmem:s18+$0xB400];
	vm0 =	vgt.f32 v59, $5.000000000e-01;
	[tilespmem:$0x1FF50] =	vst v12;
	v12 =	vimm.s32 $0x0  }
0x81: {  	v35 =	vld [tilespmem:s18+$0x7000];
	v12 =	vsel vm0, $0xFFFFFFFF, v12  }
0x82: {  	v36 =	vld [tilespmem:s18+$0x3400];
	vm12 =	vgt.f32 v13, $5.000000000e-01;
	vm0 =	vgt.f32 v61, $5.000000000e-01;
	[tilespmem:$0x1FF60] =	vst v12;
	v12 =	vimm.s32 $0x0  }
0x83: {  	v37 =	vld [tilespmem:s18+$0xB800];
	v13 =	vimm.s32 $0x0;
	v12 =	vsel vm0, $0xFFFFFFFF, v12;
	vm0 =	vgt.f32 v63, $5.000000000e-01  }
0x84: {  	v2 =	vld [tilespmem:s18+$0x7400];
	v13 =	vsel vm0, $0xFFFFFFFF, v13  }
0x85: {  	v5 =	vld [tilespmem:s18+$0x3800];
	vm0 =	vgt.f32 v62, $5.000000000e-01;
	[tilespmem:$0x1FF80] =	vst v13;
	v13 =	vimm.s32 $0x0  }
0x86: {  	v4 =	vld [tilespmem:s18+$0xBC00];
	vm4 =	vgt.f32 v3, $5.000000000e-01;
	vm5 =	vgt.f32 v6, $5.000000000e-01;
	[tilespmem:$0x1FED0] =	vst v8;
	v13 =	vsel vm0, $0xFFFFFFFF, v13  }
0x87: {  	v3 =	vld [tilespmem:s18+$0x7800];
	vm13 =	vgt.f32 v14, $5.000000000e-01;
	vm0 =	vgt.f32 v28, $5.000000000e-01;
	[tilespmem:$0x1FF90] =	vst v13;
	v13 =	vimm.s32 $0x0  }
0x88: {  	v6 =	vld [tilespmem:s18+$0x3C00];
	v14 =	vimm.s32 $0x0;
	[tilespmem:$0x1FEF0] =	vst v9;
	v13 =	vsel vm0, $0xFFFFFFFF, v13;
	vm0 =	vgt.f32 v30, $5.000000000e-01  }
0x89: {  	vm6 =	vgt.f32 v7, $5.000000000e-01;
	v7 =	vld [tilespmem:s18+$0xC000];
	[tilespmem:$0x1FF20] =	vst v10;
	v14 =	vsel vm0, $0xFFFFFFFF, v14  }
0x8a: {  	v8 =	vld [tilespmem:s18+$0x7C00];
	vm0 =	vgt.f32 v29, $5.000000000e-01;
	[tilespmem:$0x1FFB0] =	vst v14;
	v14 =	vimm.s32 $0x0  }
0x8b: {  	v9 =	vld [tilespmem:s18+$0x4000];
	[tilespmem:$0x1FF40] =	vst v11;
	v14 =	vsel vm0, $0xFFFFFFFF, v14  }
0x8c: {  	v10 =	vld [tilespmem:s18+$0xC400];
	vm0 =	vgt.f32 v31, $5.000000000e-01;
	[tilespmem:$0x1FFC0] =	vst v14;
	v14 =	vimm.s32 $0x0  }
0x8d: {  	v15 =	vimm.s32 $0x0;
	v11 =	vld [tilespmem:s18+$0x8000];
	[tilespmem:$0x1FF70] =	vst v12;
	v14 =	vsel vm0, $0xFFFFFFFF, v14;
	vm0 =	vgt.f32 v33, $5.000000000e-01  }
0x8e: {  	v12 =	vld [tilespmem:s18+$0x4400];
	[tilespmem:$0x1FFA0] =	vst v13;
	v15 =	vsel vm0, $0xFFFFFFFF, v15  }
0x8f: {  	v13 =	vld [tilespmem:s18+$0xC800];
	vm0 =	vgt.f32 v32, $5.000000000e-01;
	[tilespmem:$0x1FFE0] =	vst v15;
	v15 =	vimm.s32 $0x0  }
0x90: {  	vm2 =	vgt.f32 v34, $5.000000000e-01;
	[tilespmem:$0x1FFD0] =	vst v14;
	v14 =	vld [tilespmem:s18+$0x4800];
	v15 =	vsel vm0, $0xFFFFFFFF, v15  }
0x91: {  	s21 =	simm.s32 $0x20;
	s20 =	simm.s32 $0x1B000;
	s19 =	simm.s32 $0x1B400;
	vm15 =	vgt.f32 v36, $5.000000000e-01;
	vm14 =	vgt.f32 v35, $5.000000000e-01;
	vm0 =	vgt.f32 v37, $5.000000000e-01;
	[tilespmem:$0x1FFF0] =	vst v15;
	v15 =	vld [tilespmem:s18+$0x8800]  }
.LBB2_7:
0x92: {  	v16 =	vimm.s32 $0x0  }
0x93: {  	v16 =	vsel vm13, $0xFFFFFFFF, v16  }
0x94: {  	[tilespmem:$0x1FE50] =	vst v16;
	v16 =	vimm.s32 $0x0  }
0x95: {  	v16 =	vsel vm12, $0xFFFFFFFF, v16  }
0x96: {  	[tilespmem:$0x1FE30] =	vst v16;
	v16 =	vimm.s32 $0x0  }
0x97: {  	v16 =	vsel vm11, $0xFFFFFFFF, v16  }
0x98: {  	[tilespmem:$0x1FE40] =	vst v16;
	v16 =	vimm.s32 $0x0  }
0x99: {  	vm1 =	vgt.f32 v5, $5.000000000e-01;
	v5 =	vimm.s32 $0x0;
	v16 =	vsel vm9, $0xFFFFFFFF, v16  }
0x9a: {  	v5 =	vsel vm1, $0xFFFFFFFF, v5;
	[tilespmem:$0x1FE60] =	vst v16;
	v16 =	vimm.s32 $0x0  }
0x9b: {  	vm1 =	vgt.f32 v2, $5.000000000e-01;
	v2 =	vimm.s32 $0x0;
	[tilespmem:$0x1FE10] =	vst v5;
	v16 =	vsel vm10, $0xFFFFFFFF, v16  }
0x9c: {  	v2 =	vsel vm1, $0xFFFFFFFF, v2;
	[tilespmem:$0x1FE80] =	vst v16;
	v16 =	vimm.s32 $0x0  }
0x9d: {  	[tilespmem:$0x1FE20] =	vst v2;
	v16 =	vsel vm8, $0xFFFFFFFF, v16  }
0x9e: {  	v2 =	vld [tilespmem:s18+$0x8400];
	[tilespmem:$0x1FE70] =	vst v16;
	v16 =	vimm.s32 $0x0  }
0x9f: {  	v5 =	vld [tilespmem:$0x1FE10];
	v16 =	vsel vm6, $0xFFFFFFFF, v16  }
0xa0: {  	vm3 =	vgt.f32 v4, $5.000000000e-01;
	vm12 =	vgt.f32 v13, $5.000000000e-01;
	[tilespmem:$0x1FE90] =	vst v16;
	v16 =	vimm.s32 $0x0  }
0xa1: {  	vm13 =	vgt.f32 v15, $5.000000000e-01;
	vm1 =	vgt.f32 v14, $5.000000000e-01;
	v16 =	vsel vm7, $0xFFFFFFFF, v16  }
0xa2: {  	vm9 =	vgt.f32 v10, $5.000000000e-01;
	v4 =	vsel vm1, $0xF, v0;
	[tilespmem:$0x1FEB0] =	vst v16;
	v16 =	vimm.s32 $0x0  }
0xa3: {  	vm1 =	vgt.f32 v2, $5.000000000e-01;
	v2 =	vsel vm13, $0xF, v0;
	v16 =	vsel vm4, $0xFFFFFFFF, v16  }
0xa4: {  	v2 =	vsel vm1, $0xE, v2;
	vm1 =	vnez.u8 v5;
	v5 =	vld [tilespmem:$0x1FE20];
	[tilespmem:$0x1FEA0] =	vst v16;
	v16 =	vimm.s32 $0x0  }
0xa5: {  	v16 =	vsel vm5, $0xFFFFFFFF, v16;
	vm5 =	vgt.f32 v3, $5.000000000e-01;
	v3 =	vsel vm12, $0xF, v0  }
0xa6: {  	vm6 =	vgt.f32 v7, $5.000000000e-01;
	v3 =	vsel vm9, $0xE, v3  }
0xa7: {  	v3 =	vsel vm6, $0xD, v3  }
0xa8: {  	v3 =	vsel vm3, $0xC, v3  }
0xa9: {  	v3 =	vsel vm0, $0xB, v3;
	vm0 =	vnez.u8 v5;
	v5 =	vld [tilespmem:$0x1FFE0]  }
0xaa: {  	vm11 =	vgt.f32 v11, $5.000000000e-01  }
0xab: {  	vm8 =	vgt.f32 v8, $5.000000000e-01;
	v2 =	vsel vm11, $0xD, v2  }
0xac: {  	vm10 =	vgt.f32 v12, $5.000000000e-01;
	v2 =	vsel vm8, $0xC, v2  }
0xad: {  	v4 =	vsel vm10, $0xE, v4;
	v2 =	vsel vm5, $0xB, v2  }
0xae: {  	vm7 =	vgt.f32 v9, $5.000000000e-01;
	v2 =	vsel vm0, $0xA, v2;
	vm0 =	vnez.u8 v5;
	v5 =	vld [tilespmem:$0x1FFD0]  }
0xaf: {  	v4 =	vsel vm7, $0xD, v4;
	vm4 =	vgt.f32 v6, $5.000000000e-01  }
0xb0: {  	v4 =	vsel vm4, $0xC, v4  }
0xb1: {  	v4 =	vsel vm1, $0xB, v4  }
0xb2: {  	v4 =	vsel vm15, $0xA, v4  }
0xb3: {  	v4 =	vsel vm0, $0x9, v4;
	vm0 =	vnez.u8 v5;
	v5 =	vld [tilespmem:$0x1FFB0];
	_ =	sdelay $0x3  }
0xb4: {  	v3 =	vsel vm2, $0xA, v3  }
0xb5: {  	v3 =	vsel vm0, $0x9, v3;
	vm0 =	vnez.u8 v5;
	v5 =	vld [tilespmem:$0x1FFF0];
	_ =	sdelay $0x4  }
0xb6: {  	v4 =	vsel vm0, $0x8, v4;
	vm0 =	vnez.u8 v5;
	v5 =	vld [tilespmem:$0x1FFA0];
	_ =	sdelay $0x3  }
0xb7: {  	v2 =	vsel vm14, $0x9, v2  }
0xb8: {  	v2 =	vsel vm0, $0x8, v2;
	vm0 =	vnez.u8 v5;
	v5 =	vld [tilespmem:$0x1FF80];
	_ =	sdelay $0x4  }
0xb9: {  	v3 =	vsel vm0, $0x8, v3;
	vm0 =	vnez.u8 v5;
	v5 =	vld [tilespmem:$0x1FFC0];
	_ =	sdelay $0x4  }
0xba: {  	v4 =	vsel vm0, $0x7, v4;
	vm0 =	vnez.u8 v5;
	v5 =	vld [tilespmem:$0x1FF70];
	_ =	sdelay $0x4  }
0xbb: {  	v2 =	vsel vm0, $0x7, v2;
	vm0 =	vnez.u8 v5;
	v5 =	vld [tilespmem:$0x1FF50];
	_ =	sdelay $0x4  }
0xbc: {  	v3 =	vsel vm0, $0x7, v3;
	vm0 =	vnez.u8 v5;
	v5 =	vld [tilespmem:$0x1FF90];
	_ =	sdelay $0x4  }
0xbd: {  	v4 =	vsel vm0, $0x6, v4;
	vm0 =	vnez.u8 v5;
	v5 =	vld [tilespmem:$0x1FF40];
	_ =	sdelay $0x4  }
0xbe: {  	v2 =	vsel vm0, $0x6, v2;
	vm0 =	vnez.u8 v5;
	v5 =	vld [tilespmem:$0x1FF20];
	_ =	sdelay $0x4  }
0xbf: {  	v3 =	vsel vm0, $0x6, v3;
	vm0 =	vnez.u8 v5;
	v5 =	vld [tilespmem:$0x1FF60];
	_ =	sdelay $0x4  }
0xc0: {  	v4 =	vsel vm0, $0x5, v4;
	vm0 =	vnez.u8 v5;
	v5 =	vld [tilespmem:$0x1FF10];
	_ =	sdelay $0x4  }
0xc1: {  	v2 =	vsel vm0, $0x5, v2;
	vm0 =	vnez.u8 v5;
	v5 =	vld [tilespmem:$0x1FEF0];
	_ =	sdelay $0x4  }
0xc2: {  	v3 =	vsel vm0, $0x5, v3;
	vm0 =	vnez.u8 v5;
	v5 =	vld [tilespmem:$0x1FF30];
	_ =	sdelay $0x4  }
0xc3: {  	v4 =	vsel vm0, $0x4, v4;
	vm0 =	vnez.u8 v5;
	v5 =	vld [tilespmem:$0x1FEE0];
	_ =	sdelay $0x4  }
0xc4: {  	v2 =	vsel vm0, $0x4, v2;
	vm0 =	vnez.u8 v5;
	v5 =	vld [tilespmem:$0x1FED0];
	_ =	sdelay $0x4  }
0xc5: {  	v3 =	vsel vm0, $0x4, v3;
	vm0 =	vnez.u8 v5;
	v5 =	vld [tilespmem:$0x1FF00];
	_ =	sdelay $0x4  }
0xc6: {  	v4 =	vsel vm0, $0x3, v4;
	vm0 =	vnez.u8 v5;
	v5 =	vld [tilespmem:$0x1FE30];
	_ =	sdelay $0x4  }
0xc7: {  	v2 =	vsel vm0, $0x3, v2;
	vm0 =	vnez.u8 v5;
	v5 =	vld [tilespmem:$0x1FE40];
	_ =	sdelay $0x4  }
0xc8: {  	v3 =	vsel vm0, $0x3, v3;
	vm0 =	vnez.u8 v5;
	v5 =	vld [tilespmem:$0x1FE50];
	_ =	sdelay $0x4  }
0xc9: {  	v4 =	vsel vm0, $0x2, v4;
	vm0 =	vnez.u8 v5;
	v5 =	vld [tilespmem:$0x1FE60];
	_ =	sdelay $0x4  }
0xca: {  	v2 =	vsel vm0, $0x2, v2;
	vm0 =	vnez.u8 v5;
	v5 =	vld [tilespmem:$0x1FE70];
	_ =	sdelay $0x4  }
0xcb: {  	v3 =	vsel vm0, $0x2, v3;
	vm0 =	vnez.u8 v5;
	v5 =	vld [tilespmem:$0x1FE80];
	_ =	sdelay $0x4  }
0xcc: {  	v4 =	vsel vm0, $0x1, v4;
	vm0 =	vnez.u8 v5;
	v5 =	vld [tilespmem:$0x1FE90]  }
0xcd: {  	v6 =	vld [tilespmem:$0x1FEA0];
	_ =	sdelay $0x3  }
0xce: {  	v2 =	vsel vm0, $0x1, v2;
	vm0 =	vnez.u8 v5  }
0xcf: {  	v3 =	vsel vm0, $0x1, v3;
	vm0 =	vnez.u8 v6;
	v6 =	vld [tilespmem:$0x1FEB0];
	_ =	sdelay $0x3  }
0xd0: {  	[tilespmem:$0x1FEC0] =	vst v16  }
0xd1: {  	v4 =	vsel vm0, $0x0, v4;
	vm0 =	vnez.u8 v6;
	v6 =	vld [tilespmem:$0x1FEC0];
	_ =	sdelay $0x3  }
0xd2: {  	v5 =	vld [tilespmem:s18+$0x800];
	v2 =	vsel vm0, $0x0, v2  }
0xd3: {  	s17 =	sadd.s32 $0x10, s17;
	vm1 =	vgt.u32 v2, $0xF;
	vm0 =	vnez.u8 v6;
	v6 =	vld [tilespmem:s18+$0x400]  }
0xd4: {  	v7 =	vld [tilespmem:s17+$0x0];
	v2 =	vshll.u32 v2, $0x4;
	v3 =	vsel vm0, $0x0, v3;
	vm0 =	vgt.u32 v4, $0xF  }
0xd5: {  	v2 =	vsel vm1, $0x0, v2;
	v4 =	vsel vm0, $0x0, v4;
	vm0 =	vgt.u32 v3, $0xF  }
0xd6: {  	v3 =	vsel vm0, $0x0, v3;
	v2 =	vadd.s32 v4, v2  }
0xd7: {  	vm0 =	vgt.f32 v5, $5.000000000e-01;
	v4 =	vshll.u32 v2, v3  }
0xd8: {  	v2 =	vshrl.u32 v2, v3;
	v4 =	vand.u32 $0xFF, v4;
	vm1 =	vgt.f32 v6, $5.000000000e-01  }
0xd9: {  	vm2 =	vge.f32 v7, $5.000000000e-01;
	vm0 =	vmor vm1, vm0;
	v2 =	vsel vm1, v4, v2  }
0xda: {  	vm0 =	vmand vm2, vm0;
	v3 =	vand.u32 $0xF, v2  }
0xdb: {  	s20 =	sadd.s32 $0x10, s20;
	v2 =	vshrl.u32 v2, $0x4;
	v3 =	vnsel vm0, $0x10, v3  }
0xdc: {  	s19 =	sadd.s32 $0x10, s19;
	v2 =	vnsel vm0, $0x10, v2;
	[tilespmem:s20+$0x0] =	vst v3  }
0xdd: {  	s18 =	sand.u32 $0x3F0, s21;
	[tilespmem:s19+$0x0] =	vst v2  }
0xde: {  	v6 =	vld [tilespmem:s18+$0x8C00]  }
0xdf: {  	v3 =	vld [tilespmem:s18+$0xC00]  }
0xe0: {  	v7 =	vld [tilespmem:s18+$0x9000]  }
0xe1: {  	v8 =	vld [tilespmem:s18+$0x4C00]  }
0xe2: {  	v9 =	vld [tilespmem:s18+$0x1000]  }
0xe3: {  	v10 =	vld [tilespmem:s18+$0x9400]  }
0xe4: {  	v11 =	vld [tilespmem:s18+$0x5000]  }
0xe5: {  	v12 =	vld [tilespmem:s18+$0x1400]  }
0xe6: {  	v13 =	vld [tilespmem:s18+$0x9800]  }
0xe7: {  	v14 =	vld [tilespmem:s18+$0x5400]  }
0xe8: {  	v15 =	vld [tilespmem:s18+$0x1800]  }
0xe9: {  	v16 =	vld [tilespmem:s18+$0x9C00]  }
0xea: {  	v17 =	vld [tilespmem:s18+$0x5800]  }
0xeb: {  	v18 =	vld [tilespmem:s18+$0x1C00]  }
0xec: {  	v19 =	vld [tilespmem:s18+$0xA000];
	vm8 =	vgt.f32 v9, $5.000000000e-01  }
0xed: {  	v20 =	vld [tilespmem:s18+$0x5C00];
	vm7 =	vgt.f32 v8, $5.000000000e-01;
	vm0 =	vgt.f32 v15, $5.000000000e-01;
	v8 =	vimm.s32 $0x0  }
0xee: {  	v21 =	vld [tilespmem:s18+$0x2000];
	v9 =	vimm.s32 $0x0;
	v8 =	vsel vm0, $0xFFFFFFFF, v8;
	vm0 =	vgt.f32 v16, $5.000000000e-01  }
0xef: {  	v22 =	vld [tilespmem:s18+$0xA400];
	v9 =	vsel vm0, $0xFFFFFFFF, v9  }
0xf0: {  	v23 =	vld [tilespmem:s18+$0x6000];
	vm9 =	vgt.f32 v10, $5.000000000e-01;
	vm0 =	vgt.f32 v18, $5.000000000e-01;
	[tilespmem:$0x1FEE0] =	vst v9;
	v9 =	vimm.s32 $0x0  }
0xf1: {  	v24 =	vld [tilespmem:s18+$0x2400];
	v10 =	vimm.s32 $0x0;
	v9 =	vsel vm0, $0xFFFFFFFF, v9;
	vm0 =	vgt.f32 v17, $5.000000000e-01  }
0xf2: {  	v25 =	vld [tilespmem:s18+$0xA800];
	v10 =	vsel vm0, $0xFFFFFFFF, v10  }
0xf3: {  	v26 =	vld [tilespmem:s18+$0x6400];
	vm0 =	vgt.f32 v19, $5.000000000e-01;
	[tilespmem:$0x1FF00] =	vst v10;
	v10 =	vimm.s32 $0x0  }
0xf4: {  	v27 =	vld [tilespmem:s18+$0x2800];
	v10 =	vsel vm0, $0xFFFFFFFF, v10  }
0xf5: {  	v28 =	vld [tilespmem:s18+$0xAC00];
	vm0 =	vgt.f32 v21, $5.000000000e-01;
	[tilespmem:$0x1FF10] =	vst v10;
	v10 =	vimm.s32 $0x0  }
0xf6: {  	v29 =	vld [tilespmem:s18+$0x6800];
	v10 =	vsel vm0, $0xFFFFFFFF, v10  }
0xf7: {  	v30 =	vld [tilespmem:s18+$0x2C00];
	vm0 =	vgt.f32 v20, $5.000000000e-01;
	[tilespmem:$0x1FF20] =	vst v10;
	v10 =	vimm.s32 $0x0  }
0xf8: {  	v31 =	vld [tilespmem:s18+$0xB000];
	v10 =	vsel vm0, $0xFFFFFFFF, v10  }
0xf9: {  	v32 =	vld [tilespmem:s18+$0x6C00];
	vm10 =	vgt.f32 v11, $5.000000000e-01;
	vm0 =	vgt.f32 v22, $5.000000000e-01;
	[tilespmem:$0x1FF30] =	vst v10;
	v10 =	vimm.s32 $0x0  }
0xfa: {  	v33 =	vld [tilespmem:s18+$0x3000];
	v11 =	vimm.s32 $0x0;
	v10 =	vsel vm0, $0xFFFFFFFF, v10;
	vm0 =	vgt.f32 v24, $5.000000000e-01  }
0xfb: {  	v34 =	vld [tilespmem:s18+$0xB400];
	v11 =	vsel vm0, $0xFFFFFFFF, v11  }
0xfc: {  	v35 =	vld [tilespmem:s18+$0x7000];
	vm11 =	vgt.f32 v12, $5.000000000e-01;
	vm0 =	vgt.f32 v23, $5.000000000e-01;
	[tilespmem:$0x1FF50] =	vst v11;
	v11 =	vimm.s32 $0x0  }
0xfd: {  	v36 =	vld [tilespmem:s18+$0x3400];
	v12 =	vimm.s32 $0x0;
	v11 =	vsel vm0, $0xFFFFFFFF, v11;
	vm0 =	vgt.f32 v25, $5.000000000e-01  }
0xfe: {  	v37 =	vld [tilespmem:s18+$0xB800];
	v12 =	vsel vm0, $0xFFFFFFFF, v12  }
0xff: {  	v2 =	vld [tilespmem:s18+$0x7400];
	vm12 =	vgt.f32 v13, $5.000000000e-01;
	vm0 =	vgt.f32 v27, $5.000000000e-01;
	[tilespmem:$0x1FF70] =	vst v12;
	v12 =	vimm.s32 $0x0  }
0x100: {  	v5 =	vld [tilespmem:s18+$0x3800];
	v13 =	vimm.s32 $0x0;
	v12 =	vsel vm0, $0xFFFFFFFF, v12;
	vm0 =	vgt.f32 v26, $5.000000000e-01  }
0x101: {  	v4 =	vld [tilespmem:s18+$0xBC00];
	[tilespmem:$0x1FED0] =	vst v8;
	v13 =	vsel vm0, $0xFFFFFFFF, v13  }
0x102: {  	vm4 =	vgt.f32 v3, $5.000000000e-01;
	v3 =	vld [tilespmem:s18+$0x7800];
	vm0 =	vgt.f32 v28, $5.000000000e-01;
	[tilespmem:$0x1FF90] =	vst v13;
	v13 =	vimm.s32 $0x0  }
0x103: {  	vm5 =	vgt.f32 v6, $5.000000000e-01;
	v6 =	vld [tilespmem:s18+$0x3C00];
	[tilespmem:$0x1FEF0] =	vst v9;
	v13 =	vsel vm0, $0xFFFFFFFF, v13  }
0x104: {  	vm6 =	vgt.f32 v7, $5.000000000e-01;
	v7 =	vld [tilespmem:s18+$0xC000];
	vm0 =	vgt.f32 v30, $5.000000000e-01;
	[tilespmem:$0x1FFA0] =	vst v13;
	v13 =	vimm.s32 $0x0  }
0x105: {  	v8 =	vld [tilespmem:s18+$0x7C00];
	[tilespmem:$0x1FF40] =	vst v10;
	v13 =	vsel vm0, $0xFFFFFFFF, v13  }
0x106: {  	v9 =	vld [tilespmem:s18+$0x4000];
	vm0 =	vgt.f32 v29, $5.000000000e-01;
	[tilespmem:$0x1FFB0] =	vst v13;
	v13 =	vimm.s32 $0x0  }
0x107: {  	p1 =	sne.s32 s21, $0x3F0;
	v10 =	vld [tilespmem:s18+$0xC400];
	[tilespmem:$0x1FF60] =	vst v11;
	v13 =	vsel vm0, $0xFFFFFFFF, v13  }
.Ltmp2:
0x108: {  	vm13 =	vgt.f32 v14, $5.000000000e-01;
	v11 =	vld [tilespmem:s18+$0x8000];
	vm0 =	vgt.f32 v31, $5.000000000e-01;
	[tilespmem:$0x1FFC0] =	vst v13;
	v13 =	vimm.s32 $0x0;
	(pc) =	sbr.rel @p1 .LBB2_7-.Ltmp2, $4  }
0x109: {  	v14 =	vimm.s32 $0x0;
	[tilespmem:$0x1FF80] =	vst v12;
	v12 =	vld [tilespmem:s18+$0x4400];
	v13 =	vsel vm0, $0xFFFFFFFF, v13;
	vm0 =	vgt.f32 v33, $5.000000000e-01  }
0x10a: {  	v15 =	vimm.s32 $0x0;
	[tilespmem:$0x1FFD0] =	vst v13;
	v13 =	vld [tilespmem:s18+$0xC800];
	v14 =	vsel vm0, $0xFFFFFFFF, v14;
	vm0 =	vgt.f32 v32, $5.000000000e-01  }
0x10b: {  	vm2 =	vgt.f32 v34, $5.000000000e-01;
	[tilespmem:$0x1FFE0] =	vst v14;
	v14 =	vld [tilespmem:s18+$0x4800];
	v15 =	vsel vm0, $0xFFFFFFFF, v15  }
0x10c: {  	s21 =	sadd.s32 $0x10, s21;
	vm15 =	vgt.f32 v36, $5.000000000e-01;
	vm14 =	vgt.f32 v35, $5.000000000e-01;
	vm0 =	vgt.f32 v37, $5.000000000e-01;
	[tilespmem:$0x1FFF0] =	vst v15;
	v15 =	vld [tilespmem:s18+$0x8800]  }
0x10d: {  	v16 =	vld [tilespmem:s18+$0x8400];
	_ =	sdelay $0x1  }
0x10e: {  	vm1 =	vgt.f32 v13, $5.000000000e-01  }
0x10f: {  	v13 =	vsel vm1, $0xF, v0;
	vm1 =	vgt.f32 v14, $5.000000000e-01  }
0x110: {  	v14 =	vsel vm1, $0xF, v0;
	vm1 =	vgt.f32 v12, $5.000000000e-01;
	vm3 =	vgt.f32 v15, $5.000000000e-01  }
0x111: {  	v53 =	vsel vm3, $0xF, v0;
	v14 =	vsel vm1, $0xE, v14;
	vm1 =	vgt.f32 v16, $5.000000000e-01  }
0x112: {  	vm3 =	vgt.f32 v10, $5.000000000e-01;
	v12 =	vsel vm1, $0xE, v53;
	vm1 =	vgt.f32 v9, $5.000000000e-01  }
0x113: {  	v54 =	vsel vm3, $0xE, v13;
	v55 =	vsel vm1, $0xD, v14;
	vm1 =	vgt.f32 v11, $5.000000000e-01  }
0x114: {  	vm3 =	vgt.f32 v7, $5.000000000e-01;
	v11 =	vsel vm1, $0xD, v12;
	vm1 =	vgt.f32 v6, $5.000000000e-01  }
0x115: {  	v56 =	vsel vm3, $0xD, v54;
	v57 =	vsel vm1, $0xC, v55;
	vm1 =	vgt.f32 v8, $5.000000000e-01  }
0x116: {  	vm3 =	vgt.f32 v4, $5.000000000e-01;
	v8 =	vsel vm1, $0xC, v11;
	vm1 =	vgt.f32 v5, $5.000000000e-01  }
0x117: {  	v4 =	vsel vm3, $0xC, v56;
	v5 =	vsel vm1, $0xB, v57  }
0x118: {  	v4 =	vsel vm0, $0xB, v4;
	vm0 =	vgt.f32 v2, $5.000000000e-01;
	v2 =	vsel vm15, $0xA, v5;
	v5 =	vld [tilespmem:$0x1FFE0];
	_ =	sdelay $0x4  }
0x119: {  	vm15 =	vnez.u8 v5;
	v5 =	vld [tilespmem:$0x1FFD0];
	_ =	sdelay $0x1  }
0x11a: {  	vm1 =	vgt.f32 v3, $5.000000000e-01  }
0x11b: {  	v3 =	vsel vm1, $0xB, v8  }
0x11c: {  	v3 =	vsel vm0, $0xA, v3  }
0x11d: {  	v3 =	vsel vm14, $0x9, v3;
	vm14 =	vnez.u8 v5;
	v5 =	vld [tilespmem:$0x1FFB0];
	_ =	sdelay $0x4  }
0x11e: {  	v2 =	vsel vm15, $0x9, v2;
	vm15 =	vnez.u8 v5;
	v5 =	vld [tilespmem:$0x1FFF0];
	_ =	sdelay $0x3  }
0x11f: {  	v4 =	vsel vm2, $0xA, v4  }
0x120: {  	v4 =	vsel vm14, $0x9, v4;
	vm14 =	vnez.u8 v5;
	v5 =	vld [tilespmem:$0x1FFA0];
	_ =	sdelay $0x4  }
0x121: {  	v2 =	vsel vm15, $0x8, v2;
	vm15 =	vnez.u8 v5;
	v5 =	vld [tilespmem:$0x1FF80];
	_ =	sdelay $0x4  }
0x122: {  	v3 =	vsel vm14, $0x8, v3;
	vm14 =	vnez.u8 v5;
	v5 =	vld [tilespmem:$0x1FFC0];
	_ =	sdelay $0x4  }
0x123: {  	v4 =	vsel vm15, $0x8, v4;
	vm15 =	vnez.u8 v5;
	v5 =	vld [tilespmem:$0x1FF70];
	_ =	sdelay $0x4  }
0x124: {  	v2 =	vsel vm14, $0x7, v2;
	vm14 =	vnez.u8 v5;
	v5 =	vld [tilespmem:$0x1FF50];
	_ =	sdelay $0x4  }
0x125: {  	v3 =	vsel vm15, $0x7, v3;
	vm15 =	vnez.u8 v5;
	v5 =	vld [tilespmem:$0x1FF90];
	_ =	sdelay $0x4  }
0x126: {  	v4 =	vsel vm14, $0x7, v4;
	vm14 =	vnez.u8 v5;
	v5 =	vld [tilespmem:$0x1FF40];
	_ =	sdelay $0x4  }
0x127: {  	v2 =	vsel vm15, $0x6, v2;
	vm15 =	vnez.u8 v5;
	v5 =	vld [tilespmem:$0x1FF20];
	_ =	sdelay $0x4  }
0x128: {  	v3 =	vsel vm14, $0x6, v3;
	vm14 =	vnez.u8 v5;
	v5 =	vld [tilespmem:$0x1FF60];
	_ =	sdelay $0x4  }
0x129: {  	v4 =	vsel vm15, $0x6, v4;
	vm15 =	vnez.u8 v5;
	v5 =	vld [tilespmem:$0x1FF10];
	_ =	sdelay $0x4  }
0x12a: {  	v2 =	vsel vm14, $0x5, v2;
	vm14 =	vnez.u8 v5;
	v5 =	vld [tilespmem:$0x1FEF0];
	_ =	sdelay $0x4  }
0x12b: {  	v3 =	vsel vm15, $0x5, v3;
	vm15 =	vnez.u8 v5;
	v5 =	vld [tilespmem:$0x1FF30];
	_ =	sdelay $0x4  }
0x12c: {  	v4 =	vsel vm14, $0x5, v4;
	vm14 =	vnez.u8 v5;
	v5 =	vld [tilespmem:$0x1FEE0];
	_ =	sdelay $0x4  }
0x12d: {  	v2 =	vsel vm15, $0x4, v2;
	vm15 =	vnez.u8 v5;
	v5 =	vld [tilespmem:$0x1FED0];
	_ =	sdelay $0x4  }
0x12e: {  	v3 =	vsel vm14, $0x4, v3;
	vm14 =	vnez.u8 v5;
	v5 =	vld [tilespmem:$0x1FF00];
	_ =	sdelay $0x4  }
0x12f: {  	v4 =	vsel vm15, $0x4, v4;
	vm15 =	vnez.u8 v5  }
0x130: {  	v4 =	vsel vm12, $0x3, v4;
	v2 =	vsel vm14, $0x3, v2;
	v3 =	vsel vm15, $0x3, v3  }
0x131: {  	v4 =	vsel vm9, $0x2, v4;
	v2 =	vsel vm11, $0x2, v2;
	v3 =	vsel vm13, $0x2, v3  }
0x132: {  	v58 =	vld [tilespmem:s18+$0x400];
	v4 =	vsel vm6, $0x1, v4;
	v2 =	vsel vm8, $0x1, v2;
	v3 =	vsel vm10, $0x1, v3  }
0x133: {  	s17 =	sadd.s32 $0x10, s17;
	v4 =	vsel vm5, $0x0, v4;
	v2 =	vsel vm4, $0x0, v2;
	v5 =	vld [tilespmem:s18+$0x800];
	v3 =	vsel vm7, $0x0, v3  }
0x134: {  	v59 =	vld [tilespmem:s17+$0x0];
	vm14 =	vgt.u32 v2, $0xF;
	vm15 =	vgt.u32 v3, $0xF;
	v3 =	vshll.u32 v3, $0x4  }
0x135: {  	vm4 =	vgt.u32 v4, $0xF;
	v2 =	vsel vm14, $0x0, v2;
	v3 =	vsel vm15, $0x0, v3  }
0x136: {  	v4 =	vsel vm4, $0x0, v4;
	v2 =	vadd.s32 v2, v3  }
0x137: {  	vm6 =	vgt.f32 v58, $5.000000000e-01;
	v3 =	vshll.u32 v2, v4  }
0x138: {  	vm5 =	vgt.f32 v5, $5.000000000e-01;
	v2 =	vshrl.u32 v2, v4;
	v3 =	vand.u32 $0xFF, v3  }
0x139: {  	vm7 =	vge.f32 v59, $5.000000000e-01;
	vm0 =	vmor vm6, vm5;
	v2 =	vsel vm6, v3, v2  }
0x13a: {  	vm0 =	vmand vm7, vm0;
	v3 =	vand.u32 $0xF, v2  }
0x13b: {  	s30 =	sadd.s32 $0x10, s20;
	v2 =	vshrl.u32 v2, $0x4;
	v3 =	vnsel vm0, $0x10, v3  }
0x13c: {  	s31 =	sadd.s32 $0x10, s19;
	v2 =	vnsel vm0, $0x10, v2;
	[tilespmem:s30+$0x0] =	vst v3  }
0x13d: {  	[tilespmem:s31+$0x0] =	vst v2  }
0x13e: {  	v2 =	vld [tilespmem:s15+$0x0];
	_ =	sdelay $0x1  }
0x13f: {  	v3 =	vld [tilespmem:s14+$0x18800]  }
0x140: {  	v4 =	vld [tilespmem:s14+$0x18C00]  }
0x141: {  	v19 =	vld [tilespmem:s13+$0x0]  }
0x142: {  	v5 =	vld [tilespmem:s14+$0x18400];
	vm8 =	veq.s32 v2, $0x7;
	vm9 =	veq.s32 v2, $0x6  }
0x143: {  	v60 =	vld [tilespmem:s14+$0x18000];
	vm10 =	veq.s32 v2, $0x5;
	vm11 =	veq.s32 v2, $0x4;
	vm12 =	veq.s32 v2, $0x3  }
0x144: {  	v63 =	vld [tilespmem:s14+$0x17800];
	vm13 =	veq.s32 v2, $0x2;
	vm14 =	veq.s32 v2, $0x1;
	v62 =	vsel vm8, $0x40000000, v1  }
0x145: {  	v22 =	vld [tilespmem:s14+$0x16800];
	vm15 =	veq.s32 v2, $0x0;
	v16 =	vsel vm9, $0x40000000, v1;
	v4 =	vadd.f32 v4, v62  }
0x146: {  	v27 =	vld [tilespmem:s14+$0x16000];
	vm4 =	veq.s32 v19, $0xF;
	v18 =	vsel vm10, $0x40000000, v1;
	v3 =	vadd.f32 v3, v16  }
0x147: {  	v31 =	vld [tilespmem:s14+$0x15800];
	vm5 =	veq.s32 v19, $0xE;
	v21 =	vsel vm11, $0x40000000, v1;
	v5 =	vadd.f32 v5, v18;
	[tilespmem:s14+$0x18C00] =	vst v4  }
0x148: {  	v61 =	vld [tilespmem:s14+$0x17C00];
	vm6 =	veq.s32 v19, $0xD;
	v23 =	vsel vm13, $0x40000000, v1;
	v6 =	vadd.f32 v60, v21;
	[tilespmem:s14+$0x18800] =	vst v3  }
0x149: {  	v17 =	vld [tilespmem:s14+$0x17400];
	vm7 =	veq.s32 v19, $0xC;
	v30 =	vsel vm5, $0x40000000, v1;
	v24 =	vadd.f32 v63, v23;
	[tilespmem:s14+$0x18400] =	vst v5  }
0x14a: {  	v33 =	vsel vm7, $0x40000000, v1;
	vm9 =	veq.s32 v19, $0xA;
	v7 =	vadd.f32 v22, v30;
	v3 =	vld [tilespmem:s14+$0x16C00];
	[tilespmem:s14+$0x18000] =	vst v6  }
0x14b: {  	v20 =	vld [tilespmem:s14+$0x17000];
	v26 =	vsel vm15, $0x40000000, v1;
	v8 =	vadd.f32 v27, v33;
	v36 =	vsel vm9, $0x40000000, v1;
	[tilespmem:s14+$0x17800] =	vst v24  }
0x14c: {  	v32 =	vld [tilespmem:s14+$0x15400];
	v29 =	vsel vm4, $0x40000000, v1;
	v11 =	vadd.f32 v31, v36;
	v4 =	vsel vm12, $0x40000000, v1;
	[tilespmem:s14+$0x16800] =	vst v7  }
0x14d: {  	v25 =	vld [tilespmem:s14+$0x16400];
	vm8 =	veq.s32 v19, $0xB;
	v5 =	vsel vm14, $0x40000000, v1;
	[tilespmem:s14+$0x16000] =	vst v8;
	v4 =	vadd.f32 v61, v4  }
0x14e: {  	v42 =	vld [tilespmem:s14+$0x13800];
	vm10 =	veq.s32 v19, $0x9;
	vm11 =	veq.s32 v19, $0x8;
	v5 =	vadd.f32 v17, v5;
	[tilespmem:s14+$0x15800] =	vst v11  }
0x14f: {  	v28 =	vld [tilespmem:s14+$0x15C00];
	vm13 =	veq.s32 v19, $0x6;
	vm15 =	veq.s32 v19, $0x4;
	[tilespmem:s14+$0x17C00] =	vst v4;
	v3 =	vadd.f32 v3, v29  }
0x150: {  	v35 =	vld [tilespmem:s14+$0x14800];
	vm4 =	veq.s32 v19, $0x3;
	v37 =	vsel vm10, $0x40000000, v1;
	v4 =	vadd.f32 v20, v26;
	[tilespmem:s14+$0x17400] =	vst v5  }
0x151: {  	vm5 =	veq.s32 v19, $0x2;
	v9 =	vadd.f32 v32, v37;
	v5 =	vsel vm6, $0x40000000, v1;
	[tilespmem:s14+$0x16C00] =	vst v3;
	v3 =	vld [tilespmem:s14+$0x14C00]  }
0x152: {  	vm7 =	veq.s32 v19, $0x0;
	v49 =	vsel vm5, $0x40000000, v1;
	v5 =	vadd.f32 v25, v5;
	[tilespmem:s14+$0x17000] =	vst v4;
	v4 =	vld [tilespmem:s14+$0x15000]  }
0x153: {  	v38 =	vld [tilespmem:s14+$0x14000];
	v34 =	vsel vm8, $0x40000000, v1;
	v39 =	vsel vm11, $0x40000000, v1;
	v51 =	vadd.f32 v42, v49;
	[tilespmem:s14+$0x15400] =	vst v9  }
0x154: {  	v43 =	vsel vm13, $0x40000000, v1;
	v6 =	vadd.f32 v28, v34;
	vm12 =	veq.s32 v19, $0x7;
	[tilespmem:s14+$0x16400] =	vst v5;
	v5 =	vld [tilespmem:s14+$0x14400]  }
0x155: {  	v40 =	vld [tilespmem:s14+$0x13C00];
	v46 =	vsel vm15, $0x40000000, v1;
	v7 =	vadd.f32 v35, v43;
	v41 =	vsel vm12, $0x40000000, v1;
	[tilespmem:s14+$0x13800] =	vst v51  }
0x156: {  	v55 =	vld [tilespmem:s14+$0x1A000];
	v47 =	vsel vm4, $0x40000000, v1;
	vm8 =	veq.s32 v2, $0x8;
	[tilespmem:s14+$0x15C00] =	vst v6;
	v3 =	vadd.f32 v3, v41  }
0x157: {  	v59 =	vld [tilespmem:s14+$0x1A800];
	vm9 =	veq.s32 v2, $0x9;
	vm14 =	veq.s32 v19, $0x5;
	[tilespmem:s14+$0x14800] =	vst v7;
	v4 =	vadd.f32 v4, v39  }
0x158: {  	vm10 =	veq.s32 v2, $0xA;
	v8 =	vadd.f32 v38, v46;
	v45 =	vsel vm14, $0x40000000, v1;
	[tilespmem:s14+$0x14C00] =	vst v3;
	v3 =	vld [tilespmem:s14+$0x19000]  }
0x159: {  	vm11 =	veq.s32 v2, $0xB;
	vm12 =	veq.s32 v2, $0xC;
	v5 =	vadd.f32 v5, v45;
	[tilespmem:s14+$0x15000] =	vst v4;
	v4 =	vld [tilespmem:s14+$0x13000]  }
0x15a: {  	v48 =	vld [tilespmem:s14+$0x19400];
	vm14 =	veq.s32 v2, $0xE;
	v6 =	vadd.f32 v40, v47;
	[tilespmem:s14+$0x14000] =	vst v8;
	v60 =	vsel vm12, $0x40000000, v1  }
0x15b: {  	vm13 =	veq.s32 v2, $0xD;
	v63 =	vsel vm14, $0x40000000, v1;
	v61 =	vadd.f32 v55, v60;
	[tilespmem:s14+$0x14400] =	vst v5;
	v5 =	vld [tilespmem:s14+$0x19800]  }
0x15c: {  	v53 =	vld [tilespmem:s14+$0x19C00];
	vm15 =	veq.s32 v2, $0xF;
	v54 =	vsel vm8, $0x40000000, v1;
	v2 =	vadd.f32 v59, v63;
	[tilespmem:s14+$0x13C00] =	vst v6  }
0x15d: {  	v57 =	vld [tilespmem:s14+$0x1A400];
	v52 =	vsel vm7, $0x40000000, v1;
	[tilespmem:s14+$0x1A000] =	vst v61;
	v3 =	vadd.f32 v3, v54  }
0x15e: {  	v44 =	vld [tilespmem:s14+$0x13400];
	v56 =	vsel vm9, $0x40000000, v1;
	[tilespmem:s14+$0x1A800] =	vst v2;
	v4 =	vadd.f32 v52, v4  }
0x15f: {  	v58 =	vsel vm10, $0x40000000, v1;
	v6 =	vadd.f32 v48, v56;
	[tilespmem:s14+$0x19000] =	vst v3;
	v3 =	vld [tilespmem:s14+$0x1AC00]  }
0x160: {  	[tilespmem:s14+$0x13000] =	vst v4;
	v4 =	vadd.f32 v5, v58;
	v5 =	vsel vm11, $0x40000000, v1  }
0x161: {  	v62 =	vsel vm13, $0x40000000, v1;
	vm6 =	veq.s32 v19, $0x1;
	[tilespmem:s14+$0x19400] =	vst v6;
	v5 =	vadd.f32 v53, v5  }
0x162: {  	v50 =	vsel vm6, $0x40000000, v1;
	[tilespmem:s14+$0x19800] =	vst v4;
	v4 =	vadd.f32 v57, v62  }
0x163: {  	v9 =	vadd.f32 v44, v50;
	[tilespmem:s14+$0x19C00] =	vst v5;
	v5 =	vsel vm15, $0x40000000, v1  }
0x164: {  	[tilespmem:s14+$0x1A400] =	vst v4;
	v4 =	vadd.f32 v3, v5  }
0x165: {  	s15 =	sand.u32 $0x3F0, s16;
	[tilespmem:s14+$0x13400] =	vst v9  }
0x166: {  	v3 =	vld [tilespmem:s15+$0x13400];
	[tilespmem:s14+$0x1AC00] =	vst v4;
	s14 =	simm.s32 $0x1B410  }
0x167: {  	s16 =	simm.s32 $0x20;
	v2 =	vld [tilespmem:s14+$0x0]  }
.LBB2_9:
0x168: {  	p1 =	sne.s32 s16, $0x3F0;
	v4 =	vld [tilespmem:s15+$0x18800]  }
0x169: {  	v5 =	vld [tilespmem:s15+$0x18C00]  }
0x16a: {  	v6 =	vld [tilespmem:s15+$0x18400]  }
0x16b: {  	v7 =	vld [tilespmem:s15+$0x18000]  }
0x16c: {  	v8 =	vld [tilespmem:s15+$0x17C00];
	vm0 =	veq.s32 v2, $0x5;
	vm1 =	veq.s32 v2, $0x6;
	vm2 =	veq.s32 v2, $0x7  }
0x16d: {  	v9 =	vld [tilespmem:s15+$0x17800];
	v10 =	vsel vm0, $0x40000000, v1;
	v11 =	vsel vm1, $0x40000000, v1;
	v12 =	vsel vm2, $0x40000000, v1  }
0x16e: {  	vm0 =	veq.s32 v2, $0x4;
	v13 =	vld [tilespmem:s15+$0x17400];
	v4 =	vadd.f32 v4, v11;
	v5 =	vadd.f32 v5, v12  }
0x16f: {  	s13 =	sadd.s32 $0x10, s13;
	vm1 =	veq.s32 v2, $0x3;
	v12 =	vsel vm0, $0x40000000, v1;
	v11 =	vld [tilespmem:s15+$0x17000];
	v6 =	vadd.f32 v6, v10  }
0x170: {  	vm0 =	veq.s32 v2, $0x2;
	v14 =	vsel vm1, $0x40000000, v1;
	v10 =	vld [tilespmem:s13+$0x0];
	v7 =	vadd.f32 v7, v12;
	[tilespmem:s15+$0x18C00] =	vst v5  }
0x171: {  	vm1 =	veq.s32 v2, $0x1;
	v12 =	vsel vm0, $0x40000000, v1;
	v5 =	vld [tilespmem:s15+$0x16800];
	v8 =	vadd.f32 v8, v14;
	[tilespmem:s15+$0x18800] =	vst v4  }
0x172: {  	vm0 =	veq.s32 v2, $0x0;
	v14 =	vsel vm1, $0x40000000, v1;
	v4 =	vld [tilespmem:s15+$0x16C00];
	v9 =	vadd.f32 v9, v12;
	[tilespmem:s15+$0x18400] =	vst v6  }
0x173: {  	v12 =	vsel vm0, $0x40000000, v1;
	vm0 =	veq.s32 v2, $0x8;
	v6 =	vld [tilespmem:s15+$0x16400];
	v13 =	vadd.f32 v13, v14;
	[tilespmem:s15+$0x18000] =	vst v7  }
0x174: {  	v7 =	vld [tilespmem:s15+$0x16000];
	v11 =	vadd.f32 v11, v12;
	[tilespmem:s15+$0x17C00] =	vst v8;
	v8 =	vsel vm0, $0x40000000, v1;
	vm0 =	veq.s32 v2, $0x9  }
0x175: {  	v12 =	vld [tilespmem:s15+$0x15C00];
	vm1 =	veq.s32 v10, $0xD;
	vm2 =	veq.s32 v10, $0xE;
	vm3 =	veq.s32 v10, $0xF;
	[tilespmem:s15+$0x17800] =	vst v9  }
0x176: {  	v9 =	vld [tilespmem:s15+$0x15800];
	v14 =	vsel vm1, $0x40000000, v1;
	v15 =	vsel vm2, $0x40000000, v1;
	v16 =	vsel vm3, $0x40000000, v1;
	[tilespmem:s15+$0x17400] =	vst v13  }
0x177: {  	vm1 =	veq.s32 v10, $0xC;
	v13 =	vld [tilespmem:s15+$0x15400];
	v5 =	vadd.f32 v5, v15;
	v4 =	vadd.f32 v4, v16;
	[tilespmem:s15+$0x17000] =	vst v11  }
0x178: {  	vm2 =	veq.s32 v10, $0xB;
	v15 =	vsel vm1, $0x40000000, v1;
	v11 =	vld [tilespmem:s15+$0x15000];
	v6 =	vadd.f32 v6, v14  }
0x179: {  	vm1 =	veq.s32 v10, $0xA;
	v16 =	vsel vm2, $0x40000000, v1;
	v14 =	vld [tilespmem:s15+$0x14C00];
	v7 =	vadd.f32 v7, v15;
	[tilespmem:s15+$0x16C00] =	vst v4  }
0x17a: {  	vm2 =	veq.s32 v10, $0x9;
	v15 =	vsel vm1, $0x40000000, v1;
	v4 =	vld [tilespmem:s15+$0x14800];
	v12 =	vadd.f32 v12, v16;
	[tilespmem:s15+$0x16800] =	vst v5  }
0x17b: {  	vm1 =	veq.s32 v10, $0x8;
	v16 =	vsel vm2, $0x40000000, v1;
	v5 =	vld [tilespmem:s15+$0x14400];
	v9 =	vadd.f32 v9, v15;
	[tilespmem:s15+$0x16400] =	vst v6  }
0x17c: {  	vm2 =	veq.s32 v10, $0x7;
	v15 =	vsel vm1, $0x40000000, v1;
	v6 =	vld [tilespmem:s15+$0x14000];
	v13 =	vadd.f32 v13, v16;
	[tilespmem:s15+$0x16000] =	vst v7  }
0x17d: {  	vm1 =	veq.s32 v10, $0x6;
	v16 =	vsel vm2, $0x40000000, v1;
	v7 =	vld [tilespmem:s15+$0x13C00];
	v11 =	vadd.f32 v11, v15;
	[tilespmem:s15+$0x15C00] =	vst v12  }
0x17e: {  	vm2 =	veq.s32 v10, $0x5;
	v15 =	vsel vm1, $0x40000000, v1;
	v12 =	vld [tilespmem:s15+$0x13800];
	v14 =	vadd.f32 v14, v16;
	[tilespmem:s15+$0x15800] =	vst v9  }
0x17f: {  	vm1 =	veq.s32 v10, $0x4;
	v9 =	vsel vm2, $0x40000000, v1;
	v4 =	vadd.f32 v4, v15;
	[tilespmem:s15+$0x15400] =	vst v13;
	v13 =	vld [tilespmem:s15+$0x19000]  }
0x180: {  	vm2 =	veq.s32 v10, $0x3;
	v16 =	vsel vm1, $0x40000000, v1;
	v15 =	vld [tilespmem:s15+$0x13000];
	v5 =	vadd.f32 v5, v9;
	[tilespmem:s15+$0x15000] =	vst v11  }
0x181: {  	vm1 =	veq.s32 v10, $0x2;
	v9 =	vsel vm2, $0x40000000, v1;
	v6 =	vadd.f32 v6, v16;
	[tilespmem:s15+$0x14C00] =	vst v14;
	v11 =	vld [tilespmem:s15+$0x19400]  }
0x182: {  	vm2 =	veq.s32 v10, $0x1;
	v14 =	vsel vm1, $0x40000000, v1;
	v7 =	vadd.f32 v7, v9;
	[tilespmem:s15+$0x14800] =	vst v4;
	v4 =	vld [tilespmem:s15+$0x19800]  }
0x183: {  	vm1 =	veq.s32 v10, $0x0;
	v9 =	vsel vm2, $0x40000000, v1;
	v10 =	vadd.f32 v12, v14;
	[tilespmem:s15+$0x14400] =	vst v5;
	v5 =	vld [tilespmem:s15+$0x19C00]  }
0x184: {  	v12 =	vsel vm1, $0x40000000, v1;
	v3 =	vadd.f32 v3, v9;
	[tilespmem:s15+$0x14000] =	vst v6;
	v6 =	vadd.f32 v13, v8;
	v8 =	vld [tilespmem:s15+$0x1A000]  }
0x185: {  	v9 =	vadd.f32 v12, v15;
	[tilespmem:s15+$0x13C00] =	vst v7;
	v7 =	vsel vm0, $0x40000000, v1;
	vm0 =	veq.s32 v2, $0xA;
	v12 =	vld [tilespmem:s15+$0x1A400]  }
0x186: {  	[tilespmem:s15+$0x13800] =	vst v10;
	v7 =	vadd.f32 v11, v7;
	v10 =	vsel vm0, $0x40000000, v1;
	vm0 =	veq.s32 v2, $0xB;
	v11 =	vld [tilespmem:s15+$0x1A800]  }
0x187: {  	[tilespmem:s15+$0x13400] =	vst v3;
	v3 =	vadd.f32 v4, v10;
	v4 =	vsel vm0, $0x40000000, v1;
	vm0 =	veq.s32 v2, $0xC;
	v10 =	vld [tilespmem:s15+$0x1AC00]  }
0x188: {  	[tilespmem:s15+$0x13000] =	vst v9;
	v4 =	vadd.f32 v5, v4;
	v5 =	vsel vm0, $0x40000000, v1;
	vm0 =	veq.s32 v2, $0xD  }
0x189: {  	[tilespmem:s15+$0x19000] =	vst v6;
	v5 =	vadd.f32 v8, v5;
	v6 =	vsel vm0, $0x40000000, v1;
	vm0 =	veq.s32 v2, $0xE  }
0x18a: {  	[tilespmem:s15+$0x19400] =	vst v7;
	v6 =	vadd.f32 v12, v6;
	v7 =	vsel vm0, $0x40000000, v1;
	vm0 =	veq.s32 v2, $0xF  }
0x18b: {  	[tilespmem:s15+$0x19800] =	vst v3;
	v2 =	vadd.f32 v11, v7;
	v3 =	vsel vm0, $0x40000000, v1  }
0x18c: {  	[tilespmem:s15+$0x19C00] =	vst v4;
	v4 =	vadd.f32 v10, v3  }
.Ltmp3:
0x18d: {  	[tilespmem:s15+$0x1A000] =	vst v5;
	(pc) =	sbr.rel @p1 .LBB2_9-.Ltmp3, $4  }
0x18e: {  	[tilespmem:s15+$0x1A400] =	vst v6  }
0x18f: {  	s17 =	sand.u32 $0x3F0, s16;
	[tilespmem:s15+$0x1A800] =	vst v2  }
0x190: {  	s14 =	sadd.s32 $0x10, s14;
	v3 =	vld [tilespmem:s17+$0x13400];
	[tilespmem:s15+$0x1AC00] =	vst v4;
	s15 =	smov.u32 s17  }
0x191: {  	s16 =	sadd.s32 $0x10, s16;
	v2 =	vld [tilespmem:s14+$0x0]  }
0x192: {  	_ =	sdelay $0x2  }
0x193: {  	v4 =	vld [tilespmem:s15+$0x18800]  }
0x194: {  	v5 =	vld [tilespmem:s15+$0x18C00];
	s13 =	sadd.s32 $0x10, s13;
	vm0 =	veq.s32 v2, $0x7;
	vm10 =	veq.s32 v2, $0x6  }
0x195: {  	v13 =	vld [tilespmem:s13+$0x0];
	vm11 =	veq.s32 v2, $0x5;
	vm12 =	veq.s32 v2, $0x4;
	vm13 =	veq.s32 v2, $0x3  }
0x196: {  	vm14 =	veq.s32 v2, $0x2;
	vm15 =	veq.s32 v2, $0x1;
	vm4 =	veq.s32 v2, $0x0  }
0x197: {  	v10 =	vsel vm0, $0x40000000, v1;
	v12 =	vsel vm10, $0x40000000, v1;
	v56 =	vsel vm11, $0x40000000, v1  }
0x198: {  	v58 =	vsel vm12, $0x40000000, v1;
	v60 =	vsel vm13, $0x40000000, v1;
	v62 =	vsel vm14, $0x40000000, v1  }
0x199: {  	v6 =	vld [tilespmem:s15+$0x18400];
	v16 =	vsel vm15, $0x40000000, v1;
	v5 =	vadd.f32 v5, v10;
	v4 =	vadd.f32 v4, v12  }
0x19a: {  	v7 =	vld [tilespmem:s15+$0x18000];
	vm5 =	veq.s32 v13, $0xF;
	vm6 =	veq.s32 v13, $0xE;
	vm8 =	veq.s32 v13, $0xC  }
0x19b: {  	v59 =	vld [tilespmem:s15+$0x16C00];
	vm9 =	veq.s32 v13, $0xB;
	vm10 =	veq.s32 v13, $0xA;
	vm1 =	veq.s32 v13, $0x9  }
0x19c: {  	v57 =	vld [tilespmem:s15+$0x16800];
	vm11 =	veq.s32 v13, $0x8;
	vm12 =	veq.s32 v13, $0x7;
	vm13 =	veq.s32 v13, $0x6  }
0x19d: {  	v63 =	vld [tilespmem:s15+$0x16000];
	vm14 =	veq.s32 v13, $0x5;
	vm15 =	veq.s32 v13, $0x4;
	v21 =	vsel vm5, $0x40000000, v1  }
0x19e: {  	v20 =	vld [tilespmem:s15+$0x15400];
	v24 =	vsel vm6, $0x40000000, v1;
	v27 =	vsel vm8, $0x40000000, v1;
	[tilespmem:s15+$0x18C00] =	vst v5;
	v5 =	vadd.f32 v6, v56  }
0x19f: {  	v23 =	vld [tilespmem:s15+$0x15000];
	v29 =	vsel vm9, $0x40000000, v1;
	v31 =	vsel vm10, $0x40000000, v1;
	[tilespmem:s15+$0x18800] =	vst v4;
	v4 =	vadd.f32 v7, v58  }
0x1a0: {  	v26 =	vld [tilespmem:s15+$0x14800];
	v15 =	vsel vm1, $0x40000000, v1;
	v35 =	vsel vm11, $0x40000000, v1;
	v22 =	vadd.f32 v59, v21;
	[tilespmem:s15+$0x18400] =	vst v5  }
0x1a1: {  	v36 =	vsel vm12, $0x40000000, v1;
	v39 =	vsel vm13, $0x40000000, v1;
	v10 =	vadd.f32 v57, v24;
	[tilespmem:s15+$0x18000] =	vst v4  }
0x1a2: {  	v44 =	vld [tilespmem:s15+$0x19800];
	v41 =	vsel vm14, $0x40000000, v1;
	v43 =	vsel vm15, $0x40000000, v1;
	v7 =	vadd.f32 v63, v27;
	[tilespmem:s15+$0x16C00] =	vst v22  }
0x1a3: {  	v52 =	vld [tilespmem:s15+$0x1A800];
	vm6 =	veq.s32 v13, $0x1;
	vm8 =	veq.s32 v2, $0x8;
	v33 =	vadd.f32 v20, v15;
	[tilespmem:s15+$0x16800] =	vst v10  }
0x1a4: {  	v8 =	vld [tilespmem:s15+$0x17C00];
	vm9 =	veq.s32 v2, $0x9;
	vm10 =	veq.s32 v2, $0xA;
	v6 =	vadd.f32 v23, v35;
	[tilespmem:s15+$0x16000] =	vst v7  }
0x1a5: {  	v9 =	vld [tilespmem:s15+$0x17800];
	vm11 =	veq.s32 v2, $0xB;
	v40 =	vadd.f32 v26, v39;
	v49 =	vsel vm6, $0x40000000, v1;
	[tilespmem:s15+$0x15400] =	vst v33  }
0x1a6: {  	v19 =	vld [tilespmem:s15+$0x15800];
	vm14 =	veq.s32 v2, $0xE;
	v56 =	vsel vm10, $0x40000000, v1;
	v3 =	vadd.f32 v3, v49;
	[tilespmem:s15+$0x15000] =	vst v6  }
0x1a7: {  	v30 =	vld [tilespmem:s15+$0x14000];
	vm12 =	veq.s32 v2, $0xC;
	v63 =	vsel vm14, $0x40000000, v1;
	v57 =	vadd.f32 v44, v56;
	[tilespmem:s15+$0x14800] =	vst v40  }
0x1a8: {  	v48 =	vld [tilespmem:s15+$0x1A000];
	vm13 =	veq.s32 v2, $0xD;
	vm15 =	veq.s32 v2, $0xF;
	v2 =	vadd.f32 v52, v63;
	[tilespmem:s15+$0x13400] =	vst v3  }
0x1a9: {  	v37 =	vld [tilespmem:s15+$0x19000];
	v5 =	vadd.f32 v8, v60;
	[tilespmem:s15+$0x19800] =	vst v57  }
0x1aa: {  	v55 =	vld [tilespmem:s15+$0x17000];
	v4 =	vadd.f32 v9, v62;
	[tilespmem:s15+$0x1A800] =	vst v2  }
0x1ab: {  	v11 =	vld [tilespmem:s15+$0x17400];
	v7 =	vadd.f32 v19, v31;
	[tilespmem:s15+$0x17C00] =	vst v5  }
0x1ac: {  	v61 =	vld [tilespmem:s15+$0x16400];
	v59 =	vsel vm12, $0x40000000, v1;
	v6 =	vadd.f32 v30, v43;
	[tilespmem:s15+$0x17800] =	vst v4  }
0x1ad: {  	v42 =	vld [tilespmem:s15+$0x19400];
	v53 =	vsel vm8, $0x40000000, v1;
	v60 =	vadd.f32 v48, v59;
	[tilespmem:s15+$0x15800] =	vst v7  }
0x1ae: {  	v17 =	vld [tilespmem:s15+$0x15C00];
	v18 =	vsel vm4, $0x40000000, v1;
	v3 =	vadd.f32 v37, v53;
	[tilespmem:s15+$0x14000] =	vst v6  }
0x1af: {  	v46 =	vld [tilespmem:s15+$0x19C00];
	vm7 =	veq.s32 v13, $0xD;
	v4 =	vadd.f32 v55, v18;
	[tilespmem:s15+$0x1A000] =	vst v60  }
0x1b0: {  	v14 =	vld [tilespmem:s15+$0x14C00];
	v25 =	vsel vm7, $0x40000000, v1;
	v5 =	vadd.f32 v11, v16;
	[tilespmem:s15+$0x19000] =	vst v3  }
0x1b1: {  	v34 =	vld [tilespmem:s15+$0x13800];
	v54 =	vsel vm9, $0x40000000, v1;
	[tilespmem:s15+$0x17000] =	vst v4;
	v4 =	vadd.f32 v61, v25  }
0x1b2: {  	v28 =	vld [tilespmem:s15+$0x14400];
	v7 =	vadd.f32 v42, v54;
	[tilespmem:s15+$0x17400] =	vst v5  }
0x1b3: {  	v50 =	vld [tilespmem:s15+$0x1A400];
	v58 =	vsel vm11, $0x40000000, v1;
	[tilespmem:s15+$0x16400] =	vst v4;
	v4 =	vadd.f32 v17, v29  }
0x1b4: {  	v32 =	vld [tilespmem:s15+$0x13C00];
	vm5 =	veq.s32 v13, $0x2;
	v3 =	vadd.f32 v46, v58;
	[tilespmem:s15+$0x19400] =	vst v7  }
0x1b5: {  	v47 =	vsel vm5, $0x40000000, v1;
	v55 =	vld [tilespmem:s15+$0x1AC00];
	[tilespmem:s15+$0x15C00] =	vst v4;
	v4 =	vadd.f32 v14, v36  }
0x1b6: {  	v38 =	vld [tilespmem:s15+$0x13000];
	v5 =	vadd.f32 v34, v47;
	[tilespmem:s15+$0x19C00] =	vst v3  }
0x1b7: {  	vm4 =	veq.s32 v13, $0x3;
	v61 =	vsel vm13, $0x40000000, v1;
	[tilespmem:s15+$0x14C00] =	vst v4;
	v4 =	vadd.f32 v28, v41  }
0x1b8: {  	v45 =	vsel vm4, $0x40000000, v1;
	v62 =	vadd.f32 v50, v61;
	[tilespmem:s15+$0x13800] =	vst v5  }
0x1b9: {  	vm7 =	veq.s32 v13, $0x0;
	v3 =	vsel vm15, $0x40000000, v1;
	[tilespmem:s15+$0x14400] =	vst v4;
	v4 =	vadd.f32 v32, v45  }
0x1ba: {  	v51 =	vsel vm7, $0x40000000, v1;
	v3 =	vadd.f32 v55, v3;
	[tilespmem:s15+$0x1A400] =	vst v62  }
0x1bb: {  	[tilespmem:s15+$0x13C00] =	vst v4;
	v4 =	vadd.f32 v51, v38  }
0x1bc: {  	[tilespmem:s15+$0x1AC00] =	vst v3  }
0x1bd: {  	s11 =	sadd.s32 s12, s11;
	s12 =	simm.s32 $0x0;
	[tilespmem:s15+$0x13000] =	vst v4  }
.LBB2_11:
0x1be: {  	p1 =	sne.s32 s12, $0x6B000  }
.Ltmp4:
0x1bf: {  	_ = 	snop;
	(pc) =	sbr.rel @p1 .LBB2_11-.Ltmp4, $4  }
0x1c0: {  	_ = 	snop  }
0x1c1: {  	s13 =	sshrl.u32 s11, $0x3;
	s14 =	sshra.s32 s12, $0x2  }
0x1c2: {  	s11 =	sadd.s32 $0x20000, s11;
	s12 =	sadd.s32 $0x1000, s12;
	s13 =	sadd.s32 s2, s13  }
0x1c3: {  	[hbm4b:s13+s4] =	stream.linear.scatter [tilespmem:s14], [sflag:$0x1], $0x400, $0x38;
	[tilespmem:$0x1B800] =	vst v63  }
0x1c4: {  	_ =	swait.ge [sflag:s7], $0x400  }
0x1c5: {  	s11 =	simm.s32 $0x6B;
	[sflag:s7] =	ssyncset.done $0x0  }
.LBB2_13:
0x1c6: {  	p1 =	sne.s32 s11, $0x1;
	s11 =	sadd.s32 $0xFFFFFFFF, s11;
	[sflag:s7] =	ssyncadd.s32 $0xFFFFFC00  }
.Ltmp5:
0x1c7: {  	(pc) =	sbr.rel @p1 .LBB2_13-.Ltmp5, $3  }
0x1c8: {  	_ =	sdelay $0x1  }
0x1c9: {  	_ =	swait.ge [sflag:s7], $0x400  }
0x1ca: {  	[sflag:s7] =	ssyncset.done $0x0  }
0x1cb: {  	s10 =	sadd.s32 $0x1, s10  }
0x1cc: {  	p1 =	sne.s32 s10, $0x4  }
.Ltmp6:
0x1cd: {  	_ = 	snop;
	(pc) =	sbr.rel @p1 .LBB2_2-.Ltmp6, $2  }
0x1ce: {  	_ =	sdelay $0x2  }
0x1cf: {  	[sflag:s7] =	ssyncadd.s32 $0xFFFFFC00;
	p0 =	por !p0, !p0;
	s9 =	sadd.s32 $0x1, s9  }
0x1d0: {  	s8 =	sadd.s32 $0x1, s8  }
0x1d1: {  	p0 =	sne.s32 s8, s6  }
.Ltmp7:
0x1d2: {  	_ = 	snop;
	(pc) =	sbr.rel @p0 .LBB2_1-.Ltmp7, $1  }
0x1d3: {  	_ =	sdelay $0x3  }
0x1d4: {  	_ =	sfence.sel $0x180000  }
0x1d5: {  	[bflag:$0x0] =	sbarrier.arrive $0xFFFF  }
0x1d6: {  	p0 =	sne.s32 s3, $0x0;
	_ =	strace $0x90000047  }
0x1d7: {  	s0 =	sadd.s32 @!p0 $0x100000, s0;
	[bflag:$0x2] =	sbarrier.arrive $0xFFFF  }
0x1d8: {  	[sflag:s0] =	ssyncadd.tile.s32 @!p0 $0x1;
	_ =	shalt  }
.Lfunc_end2:
_tile_overlayer_lowered:
.L_overlay_start_2:
0x1d9: {  	(tag) =	ssettag $0x2  }
0x1da: {  	s0 =	rddreg [dreg:$0x0];
	s2 =	stileid.u32  }
0x1db: {  	s1 =	rddreg [dreg:$0x1];
	p0 =	sne.s32 s2, $0x0  }
0x1dc: {  	s3 =	rddreg [dreg:$0x2];
	[bflag:$0x3] =	sbarrier.arrive $0xFFFF;
	s2 =	simm.s32 @!p0 $0x1C02  }
0x1dd: {  	[timem:s3], [sflag:s2] =	dma.local @!p0 [hbm:s0], s1  }
0x1de: {  	s0 =	simm.s32 @!p0 $0x2  }
0x1df: {  	_ =	swait.ge @!p0 [sflag:s0], s1  }
0x1e0: {  	s1 =	ssub.s32 @!p0 $0x0, s1;
	[sflag:s0] =	ssyncset.done @!p0 $0x0  }
0x1e1: {  	[sflag:s0] =	ssyncadd.s32 @!p0 s1  }
0x1e2: {  	[bflag:$0x3] =	sbarrier.arrive $0xFFFF  }
0x1e3: {  	_ =	shalt  }

</sc_bundles>
